<compile_context>
chip_gen: v7x
topology: tpu7x:2x2x1
jax: 0.10.2.dev20260603
libtpu: 0.0.44.dev20260713+nightly
codegen_flags: <defaults>
</compile_context>

<pallas_src>
import jax
import jax.numpy as jnp
from jax import lax
from jax.experimental import pallas as pl
from jax.experimental.pallas import tpu as pltpu
from jax.experimental.pallas import tpu_sc as plsc

_BH = 1024


def _sc_gather_add(
    y2d_hbm, ridx_hbm, x_hbm, xb_hbm, out_hbm,
    ridx_v, x_v, rows_v, xb_v, val_v, sem,
):
    cid = lax.axis_index("c")
    sid = lax.axis_index("s")

    @pl.when((cid == 0) & (sid == 0))
    def _():
        n = ridx_v.shape[0]
        pltpu.sync_copy(ridx_hbm, ridx_v)
        pltpu.sync_copy(x_hbm, x_v)
        pltpu.sync_copy(xb_hbm, xb_v)
        pltpu.async_copy(y2d_hbm.at[ridx_v], rows_v, sem).wait()
        lanes = lax.iota(jnp.int32, n)
        vals = plsc.load_gather(rows_v, [lanes, x_v[...]])
        val_v[...] = vals + xb_v[...]
        pltpu.sync_copy(val_v, out_hbm)


def _injected_values(Y, X, x, y):
    n, h, w = Y.shape
    ridx = (jnp.arange(n, dtype=jnp.int32) * h + y).astype(jnp.int32)
    xb = jnp.broadcast_to(X, (n,))
    call = pl.kernel(
        _sc_gather_add,
        out_type=jax.ShapeDtypeStruct((n,), jnp.float32),
        mesh=plsc.VectorSubcoreMesh(core_axis_name="c", subcore_axis_name="s"),
        scratch_types=[
            pltpu.VMEM((n,), jnp.int32),
            pltpu.VMEM((n,), jnp.int32),
            pltpu.VMEM((n, w), jnp.float32),
            pltpu.VMEM((n,), jnp.float32),
            pltpu.VMEM((n,), jnp.float32),
            pltpu.SemaphoreType.DMA,
        ],
        compiler_params=pltpu.CompilerParams(
            needs_layout_passes=False,
            skip_device_barrier=True,
        ),
    )
    return call(Y.reshape(n * h, w), ridx, x, xb)


def _copy_body(y_blk, o_blk):
    o_blk[...] = y_blk[...]


def _patch_body(x_ref, y_ref, v_ref, c_hbm, o_hbm, rowbuf, sem):
    n = rowbuf.shape[0]
    w = rowbuf.shape[-1]
    reads = []
    for i in range(n):
        d = pltpu.make_async_copy(
            o_hbm.at[i, pl.ds(y_ref[i], 1), :], rowbuf.at[i], sem
        )
        d.start()
        reads.append(d)
    cols = jax.lax.broadcasted_iota(jnp.int32, (1, w), 1)
    writes = []
    for i in range(n):
        reads[i].wait()
        rowbuf[i] = jnp.where(cols == x_ref[i], v_ref[i], rowbuf[i])
        d = pltpu.make_async_copy(
            rowbuf.at[i], o_hbm.at[i, pl.ds(y_ref[i], 1), :], sem
        )
        d.start()
        writes.append(d)
    for d in writes:
        d.wait()


def kernel(Y, X, x, y):
    n, h, w = Y.shape
    vals = _injected_values(Y, X, x, y)
    clone = pl.pallas_call(
        _copy_body,
        grid=(n, h // _BH),
        in_specs=[pl.BlockSpec((1, _BH, w), lambda i, j: (i, j, 0))],
        out_specs=pl.BlockSpec((1, _BH, w), lambda i, j: (i, j, 0)),
        out_shape=jax.ShapeDtypeStruct(Y.shape, Y.dtype),
        compiler_params=pltpu.CompilerParams(
            dimension_semantics=("parallel", "parallel"),
        ),
    )(Y)
    return pl.pallas_call(
        _patch_body,
        in_specs=[
            pl.BlockSpec(memory_space=pltpu.SMEM),
            pl.BlockSpec(memory_space=pltpu.SMEM),
            pl.BlockSpec(memory_space=pltpu.SMEM),
            pl.BlockSpec(memory_space=pl.ANY),
        ],
        out_specs=pl.BlockSpec(memory_space=pl.ANY),
        out_shape=jax.ShapeDtypeStruct(Y.shape, Y.dtype),
        input_output_aliases={3: 0},
        scratch_shapes=[
            pltpu.VMEM((n, 1, w), jnp.float32),
            pltpu.SemaphoreType.DMA,
        ],
    )(x, y, vals, clone)

# --- scband reference (transcript-rebuilt; emitter-appended) ---
"""Pipeline reference for scband-wave-source-14199161881018 (READ-ONLY COPY).

The authoritative reference and input builder live on the scoring server;
editing this copy changes nothing except your own understanding.
"""

import jax, jax.numpy as jnp
import numpy as np

N_SRC = 16
GRID_H = 2048
GRID_W = 2048

def setup_inputs(seed: int = 0):
    key = jax.random.key(seed)
    k1, k2 = jax.random.split(key)
    Y = jax.random.normal(k1, (N_SRC, GRID_H, GRID_W), dtype=jnp.float32)
    X = jax.random.normal(k2, (1,), dtype=jnp.float32)
    # coordinate buffers from __init__ kwargs (constants, int indices)
    x = jnp.array([64 + 128 * i for i in range(N_SRC)], dtype=jnp.int32)
    y = jnp.full((N_SRC,), 10, dtype=jnp.int32)
    return {"Y": Y, "X": X, "x": x, "y": y}

def reference(Y, X, x, y):
    # WaveSource.forward2d with second_order_equation=True (Y cloned) and
    # source_encoding=False: for each shot idx, Y[idx, y[idx], x[idx]] += dt * X.
    # The python loop over sources vectorizes to a batched scatter-add.
    dt = 1.0
    batch_idx = jnp.arange(Y.shape[0])
    Y_new = Y.at[batch_idx, y, x].add(dt * X[0])
    return Y_new

if __name__ == "__main__":
    import jax
    _d = setup_inputs()
    print(jax.jit(kernel)(*tuple(_d.values())))

</pallas_src>

<mosaic_0001>
#map = affine_map<(d0, d1) -> (0, 0)>
#map1 = affine_map<(d0, d1) -> (0)>
module attributes {stable_mosaic.version = 14 : i64} {
  func.func @_sc_gather_add(%arg0: i32, %arg1: i32, %arg2: memref<32768x2048xf32, #tpu.memory_space<hbm>>, %arg3: memref<16xi32, #tpu.memory_space<hbm>>, %arg4: memref<16xi32, #tpu.memory_space<hbm>>, %arg5: memref<16xf32, #tpu.memory_space<hbm>>, %arg6: memref<16xf32, #tpu.memory_space<hbm>>, %arg7: memref<16xi32, #tpu.memory_space<vmem>>, %arg8: memref<16xi32, #tpu.memory_space<vmem>>, %arg9: memref<16x2048xf32, #tpu.memory_space<vmem>>, %arg10: memref<16xf32, #tpu.memory_space<vmem>>, %arg11: memref<16xf32, #tpu.memory_space<vmem>>, %arg12: memref<!tpu.dma_semaphore, #tpu.memory_space<semaphore_mem>>) attributes {dimension_semantics = [#tpu.dimension_semantics<core_parallel>, #tpu.dimension_semantics<subcore_parallel>], iteration_bounds = array<i64: 2, 16>, scalar_prefetch = 0 : i64, scratch_operands = 6 : i64, tpu.core_type = #tpu.core_type<sc_vector_subcore>, window_params = [{transform_indices = #map}, {transform_indices = #map1}, {transform_indices = #map1}, {transform_indices = #map1}, {transform_indices = #map1}]} {
    %eq3A = arith.constant 0 : i32
    %eq3A_0 = arith.cmpi eq, %arg0, %eq3A : i32
    %eq3A_1 = arith.constant 0 : i32
    %eq3A_2 = arith.cmpi eq, %arg1, %eq3A_1 : i32
    %and3A = arith.andi %eq3A_0, %eq3A_2 : i1
    %convert_element_type3A = arith.extui %and3A : i1 to i32
    %cond3A = arith.constant 0 : i32
    %cond3A_3 = arith.cmpi ne, %convert_element_type3A, %cond3A : i32
    scf.if %cond3A_3 {
      "tpu.region"() ({
        %run_scoped3A = tpu.sem_alloc : memref<!tpu.dma_semaphore, #tpu.memory_space<semaphore_mem>>
        tpu.enqueue_dma source(%arg3 : memref<16xi32, #tpu.memory_space<hbm>>) target(%arg7 : memref<16xi32, #tpu.memory_space<vmem>>) target_semaphore(%run_scoped3A : memref<!tpu.dma_semaphore, #tpu.memory_space<semaphore_mem>>)
        tpu.wait_dma2 semaphore(%run_scoped3A : memref<!tpu.dma_semaphore, #tpu.memory_space<semaphore_mem>>) src(%arg3 : memref<16xi32, #tpu.memory_space<hbm>>) dst(%arg7 : memref<16xi32, #tpu.memory_space<vmem>>)
        tpu.yield
      }) : () -> ()
      "tpu.region"() ({
        %run_scoped3A = tpu.sem_alloc : memref<!tpu.dma_semaphore, #tpu.memory_space<semaphore_mem>>
        tpu.enqueue_dma source(%arg4 : memref<16xi32, #tpu.memory_space<hbm>>) target(%arg8 : memref<16xi32, #tpu.memory_space<vmem>>) target_semaphore(%run_scoped3A : memref<!tpu.dma_semaphore, #tpu.memory_space<semaphore_mem>>)
        tpu.wait_dma2 semaphore(%run_scoped3A : memref<!tpu.dma_semaphore, #tpu.memory_space<semaphore_mem>>) src(%arg4 : memref<16xi32, #tpu.memory_space<hbm>>) dst(%arg8 : memref<16xi32, #tpu.memory_space<vmem>>)
        tpu.yield
      }) : () -> ()
      "tpu.region"() ({
        %run_scoped3A = tpu.sem_alloc : memref<!tpu.dma_semaphore, #tpu.memory_space<semaphore_mem>>
        tpu.enqueue_dma source(%arg5 : memref<16xf32, #tpu.memory_space<hbm>>) target(%arg10 : memref<16xf32, #tpu.memory_space<vmem>>) target_semaphore(%run_scoped3A : memref<!tpu.dma_semaphore, #tpu.memory_space<semaphore_mem>>)
        tpu.wait_dma2 semaphore(%run_scoped3A : memref<!tpu.dma_semaphore, #tpu.memory_space<semaphore_mem>>) src(%arg5 : memref<16xf32, #tpu.memory_space<hbm>>) dst(%arg10 : memref<16xf32, #tpu.memory_space<vmem>>)
        tpu.yield
      }) : () -> ()
      %dma_start3A = arith.constant 0 : i32
      %dma_start3A_4 = arith.constant 0 : i32
      %dma_start3A_5 = tpu.memref_slice %arg2[%dma_start3A, %dma_start3A_4] : memref<32768x2048xf32, #tpu.memory_space<hbm>> -> memref<32768x2048xf32, #tpu.memory_space<hbm>>
      tpu.enqueue_indirect_dma source(%dma_start3A_5 : memref<32768x2048xf32, #tpu.memory_space<hbm>>) target(%arg9 : memref<16x2048xf32, #tpu.memory_space<vmem>>) offsets(%arg7 : memref<16xi32, #tpu.memory_space<vmem>>) semaphore(%arg12 : memref<!tpu.dma_semaphore, #tpu.memory_space<semaphore_mem>>)
      %dma_wait3A = arith.constant 0 : i32
      %dma_wait3A_6 = arith.constant 0 : i32
      %dma_wait3A_7 = tpu.memref_slice %arg2[%dma_wait3A, %dma_wait3A_6] : memref<32768x2048xf32, #tpu.memory_space<hbm>> -> memref<32768x2048xf32, #tpu.memory_space<hbm>>
      tpu.wait_indirect_dma semaphore(%arg12 : memref<!tpu.dma_semaphore, #tpu.memory_space<semaphore_mem>>) src(%dma_wait3A_7 : memref<32768x2048xf32, #tpu.memory_space<hbm>>) dst(%arg9 : memref<16x2048xf32, #tpu.memory_space<vmem>>)
      %iota3A = tpu.iota {dimensions = array<i32: 0>} : vector<16xi32>
      %get3A = arith.constant 0 : index
      %get3A_8 = tpu.vector_load %arg8[%get3A] {strides = array<i32>} : memref<16xi32, #tpu.memory_space<vmem>>, vector<16xi32>,
      %gather3A = tpu.vector_load_idx %arg9[%iota3A, %get3A_8] : memref<16x2048xf32, #tpu.memory_space<vmem>>[vector<16xi32>, vector<16xi32>], vector<16xf32>,
      %get3A_9 = arith.constant 0 : index
      %get3A_10 = tpu.vector_load %arg10[%get3A_9] {strides = array<i32>} : memref<16xf32, #tpu.memory_space<vmem>>, vector<16xf32>,
      %add3A = arith.addf %gather3A, %get3A_10 : vector<16xf32>
      %swap3A = arith.constant 0 : index
      %swap3A_11 = tpu.vector_load %arg11[%swap3A] {strides = array<i32>} : memref<16xf32, #tpu.memory_space<vmem>>, vector<16xf32>,
      tpu.vector_store %arg11[%swap3A], %add3A {strides = array<i32>} : memref<16xf32, #tpu.memory_space<vmem>>, vector<16xf32>,
      "tpu.region"() ({
        %run_scoped3A = tpu.sem_alloc : memref<!tpu.dma_semaphore, #tpu.memory_space<semaphore_mem>>
        tpu.enqueue_dma source(%arg11 : memref<16xf32, #tpu.memory_space<vmem>>) target(%arg6 : memref<16xf32, #tpu.memory_space<hbm>>) target_semaphore(%run_scoped3A : memref<!tpu.dma_semaphore, #tpu.memory_space<semaphore_mem>>)
        tpu.wait_dma2 semaphore(%run_scoped3A : memref<!tpu.dma_semaphore, #tpu.memory_space<semaphore_mem>>) src(%arg11 : memref<16xf32, #tpu.memory_space<vmem>>) dst(%arg6 : memref<16xf32, #tpu.memory_space<hbm>>)
        tpu.yield
      }) : () -> ()
    } else {
    }
    return
  }
}

module attributes {stable_mosaic.version = 14 : i64} {
  func.func @_copy_body(%arg0: i32, %arg1: i32, %arg2: memref<1x1024x2048xf32, #tpu.memory_space<vmem>>, %arg3: memref<1x1024x2048xf32, #tpu.memory_space<vmem>>) attributes {dimension_semantics = [#tpu.dimension_semantics<parallel>, #tpu.dimension_semantics<parallel>], iteration_bounds = array<i64: 16, 2>, scalar_prefetch = 0 : i64, scratch_operands = 0 : i64, tpu.core_type = #tpu.core_type<tc>, window_params = [{transform_indices = @transform_0, window_bounds = array<i64: 1, 1024, 2048>}, {transform_indices = @transform_1, window_bounds = array<i64: 1, 1024, 2048>}]} {
    %get3A = arith.constant 0 : index
    %get3A_0 = arith.constant 0 : index
    %get3A_1 = arith.constant 0 : index
    %get3A_2 = vector.load %arg2[%get3A, %get3A_0, %get3A_1] : memref<1x1024x2048xf32, #tpu.memory_space<vmem>>, vector<1x1024x2048xf32>
    %swap3A = arith.constant 0 : index
    %swap3A_3 = arith.constant 0 : index
    %swap3A_4 = arith.constant 0 : index
    %swap3A_5 = vector.load %arg3[%swap3A, %swap3A_3, %swap3A_4] : memref<1x1024x2048xf32, #tpu.memory_space<vmem>>, vector<1x1024x2048xf32>
    tpu.vector_store %arg3[%swap3A, %swap3A_3, %swap3A_4], %get3A_2 {strides = array<i32>} : memref<1x1024x2048xf32, #tpu.memory_space<vmem>>, vector<1x1024x2048xf32>,
    return
  }
  func.func @transform_0(%arg0: i32, %arg1: i32) -> (i32, i32, i32) {
    %c0_i32 = arith.constant 0 : i32
    %c0_i32_0 = arith.constant 0 : i32
    return %arg0, %arg1, %c0_i32 : i32, i32, i32
  }
  func.func @transform_1(%arg0: i32, %arg1: i32) -> (i32, i32, i32) {
    %c0_i32 = arith.constant 0 : i32
    %c0_i32_0 = arith.constant 0 : i32
    return %arg0, %arg1, %c0_i32 : i32, i32, i32
  }
}

module attributes {stable_mosaic.version = 14 : i64} {
  func.func @_patch_body(%arg0: memref<16xi32, #tpu.memory_space<smem>>, %arg1: memref<16xi32, #tpu.memory_space<smem>>, %arg2: memref<16xf32, #tpu.memory_space<smem>>, %arg3: memref<16x2048x2048xf32, #tpu.memory_space<any>>, %arg4: memref<16x2048x2048xf32, #tpu.memory_space<any>>, %arg5: memref<16x1x2048xf32, #tpu.memory_space<vmem>>, %arg6: memref<!tpu.dma_semaphore, #tpu.memory_space<semaphore_mem>>) attributes {dimension_semantics = [], scalar_prefetch = 0 : i64, scratch_operands = 2 : i64, tpu.core_type = #tpu.core_type<tc>} {
    %get3A = arith.constant 0 : index
    %get3A_0 = memref.load %arg1[%get3A] : memref<16xi32, #tpu.memory_space<smem>>
    %dma_start3A = arith.constant 0 : i32
    %dma_start3A_1 = arith.constant 0 : i32
    %dma_start3A_2 = arith.constant 0 : i32
    %dma_start3A_3 = arith.constant 0 : i32
    %dma_start3A_4 = tpu.memref_slice %arg5[%dma_start3A_1, %dma_start3A_2, %dma_start3A_3] : memref<16x1x2048xf32, #tpu.memory_space<vmem>> -> memref<1x1x2048xf32, #tpu.memory_space<vmem>>
    %dma_start3A_5 = tpu.memref_squeeze %dma_start3A_4 : memref<1x1x2048xf32, #tpu.memory_space<vmem>> -> memref<1x2048xf32, #tpu.memory_space<vmem>>
    %dma_start3A_6 = arith.constant 0 : i32
    %dma_start3A_7 = tpu.memref_slice %arg4[%dma_start3A, %get3A_0, %dma_start3A_6] : memref<16x2048x2048xf32, #tpu.memory_space<any>> -> memref<1x1x2048xf32, #tpu.memory_space<any>>
    %dma_start3A_8 = tpu.memref_squeeze %dma_start3A_7 : memref<1x1x2048xf32, #tpu.memory_space<any>> -> memref<1x2048xf32, #tpu.memory_space<any>>
    tpu.enqueue_dma source(%dma_start3A_8 : memref<1x2048xf32, #tpu.memory_space<any>>) target(%dma_start3A_5 : memref<1x2048xf32, #tpu.memory_space<vmem>>) target_semaphore(%arg6 : memref<!tpu.dma_semaphore, #tpu.memory_space<semaphore_mem>>)
    %get3A_9 = arith.constant 1 : index
    %get3A_10 = memref.load %arg1[%get3A_9] : memref<16xi32, #tpu.memory_space<smem>>
    %dma_start3A_11 = arith.constant 1 : i32
    %dma_start3A_12 = arith.constant 1 : i32
    %dma_start3A_13 = arith.constant 0 : i32
    %dma_start3A_14 = arith.constant 0 : i32
    %dma_start3A_15 = tpu.memref_slice %arg5[%dma_start3A_12, %dma_start3A_13, %dma_start3A_14] : memref<16x1x2048xf32, #tpu.memory_space<vmem>> -> memref<1x1x2048xf32, #tpu.memory_space<vmem>>
    %dma_start3A_16 = tpu.memref_squeeze %dma_start3A_15 : memref<1x1x2048xf32, #tpu.memory_space<vmem>> -> memref<1x2048xf32, #tpu.memory_space<vmem>>
    %dma_start3A_17 = arith.constant 0 : i32
    %dma_start3A_18 = tpu.memref_slice %arg4[%dma_start3A_11, %get3A_10, %dma_start3A_17] : memref<16x2048x2048xf32, #tpu.memory_space<any>> -> memref<1x1x2048xf32, #tpu.memory_space<any>>
    %dma_start3A_19 = tpu.memref_squeeze %dma_start3A_18 : memref<1x1x2048xf32, #tpu.memory_space<any>> -> memref<1x2048xf32, #tpu.memory_space<any>>
    tpu.enqueue_dma source(%dma_start3A_19 : memref<1x2048xf32, #tpu.memory_space<any>>) target(%dma_start3A_16 : memref<1x2048xf32, #tpu.memory_space<vmem>>) target_semaphore(%arg6 : memref<!tpu.dma_semaphore, #tpu.memory_space<semaphore_mem>>)
    %get3A_20 = arith.constant 2 : index
    %get3A_21 = memref.load %arg1[%get3A_20] : memref<16xi32, #tpu.memory_space<smem>>
    %dma_start3A_22 = arith.constant 2 : i32
    %dma_start3A_23 = arith.constant 2 : i32
    %dma_start3A_24 = arith.constant 0 : i32
    %dma_start3A_25 = arith.constant 0 : i32
    %dma_start3A_26 = tpu.memref_slice %arg5[%dma_start3A_23, %dma_start3A_24, %dma_start3A_25] : memref<16x1x2048xf32, #tpu.memory_space<vmem>> -> memref<1x1x2048xf32, #tpu.memory_space<vmem>>
    %dma_start3A_27 = tpu.memref_squeeze %dma_start3A_26 : memref<1x1x2048xf32, #tpu.memory_space<vmem>> -> memref<1x2048xf32, #tpu.memory_space<vmem>>
    %dma_start3A_28 = arith.constant 0 : i32
    %dma_start3A_29 = tpu.memref_slice %arg4[%dma_start3A_22, %get3A_21, %dma_start3A_28] : memref<16x2048x2048xf32, #tpu.memory_space<any>> -> memref<1x1x2048xf32, #tpu.memory_space<any>>
    %dma_start3A_30 = tpu.memref_squeeze %dma_start3A_29 : memref<1x1x2048xf32, #tpu.memory_space<any>> -> memref<1x2048xf32, #tpu.memory_space<any>>
    tpu.enqueue_dma source(%dma_start3A_30 : memref<1x2048xf32, #tpu.memory_space<any>>) target(%dma_start3A_27 : memref<1x2048xf32, #tpu.memory_space<vmem>>) target_semaphore(%arg6 : memref<!tpu.dma_semaphore, #tpu.memory_space<semaphore_mem>>)
    %get3A_31 = arith.constant 3 : index
    %get3A_32 = memref.load %arg1[%get3A_31] : memref<16xi32, #tpu.memory_space<smem>>
    %dma_start3A_33 = arith.constant 3 : i32
    %dma_start3A_34 = arith.constant 3 : i32
    %dma_start3A_35 = arith.constant 0 : i32
    %dma_start3A_36 = arith.constant 0 : i32
    %dma_start3A_37 = tpu.memref_slice %arg5[%dma_start3A_34, %dma_start3A_35, %dma_start3A_36] : memref<16x1x2048xf32, #tpu.memory_space<vmem>> -> memref<1x1x2048xf32, #tpu.memory_space<vmem>>
    %dma_start3A_38 = tpu.memref_squeeze %dma_start3A_37 : memref<1x1x2048xf32, #tpu.memory_space<vmem>> -> memref<1x2048xf32, #tpu.memory_space<vmem>>
    %dma_start3A_39 = arith.constant 0 : i32
    %dma_start3A_40 = tpu.memref_slice %arg4[%dma_start3A_33, %get3A_32, %dma_start3A_39] : memref<16x2048x2048xf32, #tpu.memory_space<any>> -> memref<1x1x2048xf32, #tpu.memory_space<any>>
    %dma_start3A_41 = tpu.memref_squeeze %dma_start3A_40 : memref<1x1x2048xf32, #tpu.memory_space<any>> -> memref<1x2048xf32, #tpu.memory_space<any>>
    tpu.enqueue_dma source(%dma_start3A_41 : memref<1x2048xf32, #tpu.memory_space<any>>) target(%dma_start3A_38 : memref<1x2048xf32, #tpu.memory_space<vmem>>) target_semaphore(%arg6 : memref<!tpu.dma_semaphore, #tpu.memory_space<semaphore_mem>>)
    %get3A_42 = arith.constant 4 : index
    %get3A_43 = memref.load %arg1[%get3A_42] : memref<16xi32, #tpu.memory_space<smem>>
    %dma_start3A_44 = arith.constant 4 : i32
    %dma_start3A_45 = arith.constant 4 : i32
    %dma_start3A_46 = arith.constant 0 : i32
    %dma_start3A_47 = arith.constant 0 : i32
    %dma_start3A_48 = tpu.memref_slice %arg5[%dma_start3A_45, %dma_start3A_46, %dma_start3A_47] : memref<16x1x2048xf32, #tpu.memory_space<vmem>> -> memref<1x1x2048xf32, #tpu.memory_space<vmem>>
    %dma_start3A_49 = tpu.memref_squeeze %dma_start3A_48 : memref<1x1x2048xf32, #tpu.memory_space<vmem>> -> memref<1x2048xf32, #tpu.memory_space<vmem>>
    %dma_start3A_50 = arith.constant 0 : i32
    %dma_start3A_51 = tpu.memref_slice %arg4[%dma_start3A_44, %get3A_43, %dma_start3A_50] : memref<16x2048x2048xf32, #tpu.memory_space<any>> -> memref<1x1x2048xf32, #tpu.memory_space<any>>
    %dma_start3A_52 = tpu.memref_squeeze %dma_start3A_51 : memref<1x1x2048xf32, #tpu.memory_space<any>> -> memref<1x2048xf32, #tpu.memory_space<any>>
    tpu.enqueue_dma source(%dma_start3A_52 : memref<1x2048xf32, #tpu.memory_space<any>>) target(%dma_start3A_49 : memref<1x2048xf32, #tpu.memory_space<vmem>>) target_semaphore(%arg6 : memref<!tpu.dma_semaphore, #tpu.memory_space<semaphore_mem>>)
    %get3A_53 = arith.constant 5 : index
    %get3A_54 = memref.load %arg1[%get3A_53] : memref<16xi32, #tpu.memory_space<smem>>
    %dma_start3A_55 = arith.constant 5 : i32
    %dma_start3A_56 = arith.constant 5 : i32
    %dma_start3A_57 = arith.constant 0 : i32
    %dma_start3A_58 = arith.constant 0 : i32
    %dma_start3A_59 = tpu.memref_slice %arg5[%dma_start3A_56, %dma_start3A_57, %dma_start3A_58] : memref<16x1x2048xf32, #tpu.memory_space<vmem>> -> memref<1x1x2048xf32, #tpu.memory_space<vmem>>
    %dma_start3A_60 = tpu.memref_squeeze %dma_start3A_59 : memref<1x1x2048xf32, #tpu.memory_space<vmem>> -> memref<1x2048xf32, #tpu.memory_space<vmem>>
    %dma_start3A_61 = arith.constant 0 : i32
    %dma_start3A_62 = tpu.memref_slice %arg4[%dma_start3A_55, %get3A_54, %dma_start3A_61] : memref<16x2048x2048xf32, #tpu.memory_space<any>> -> memref<1x1x2048xf32, #tpu.memory_space<any>>
    %dma_start3A_63 = tpu.memref_squeeze %dma_start3A_62 : memref<1x1x2048xf32, #tpu.memory_space<any>> -> memref<1x2048xf32, #tpu.memory_space<any>>
    tpu.enqueue_dma source(%dma_start3A_63 : memref<1x2048xf32, #tpu.memory_space<any>>) target(%dma_start3A_60 : memref<1x2048xf32, #tpu.memory_space<vmem>>) target_semaphore(%arg6 : memref<!tpu.dma_semaphore, #tpu.memory_space<semaphore_mem>>)
    %get3A_64 = arith.constant 6 : index
    %get3A_65 = memref.load %arg1[%get3A_64] : memref<16xi32, #tpu.memory_space<smem>>
    %dma_start3A_66 = arith.constant 6 : i32
    %dma_start3A_67 = arith.constant 6 : i32
    %dma_start3A_68 = arith.constant 0 : i32
    %dma_start3A_69 = arith.constant 0 : i32
    %dma_start3A_70 = tpu.memref_slice %arg5[%dma_start3A_67, %dma_start3A_68, %dma_start3A_69] : memref<16x1x2048xf32, #tpu.memory_space<vmem>> -> memref<1x1x2048xf32, #tpu.memory_space<vmem>>
    %dma_start3A_71 = tpu.memref_squeeze %dma_start3A_70 : memref<1x1x2048xf32, #tpu.memory_space<vmem>> -> memref<1x2048xf32, #tpu.memory_space<vmem>>
    %dma_start3A_72 = arith.constant 0 : i32
    %dma_start3A_73 = tpu.memref_slice %arg4[%dma_start3A_66, %get3A_65, %dma_start3A_72] : memref<16x2048x2048xf32, #tpu.memory_space<any>> -> memref<1x1x2048xf32, #tpu.memory_space<any>>
    %dma_start3A_74 = tpu.memref_squeeze %dma_start3A_73 : memref<1x1x2048xf32, #tpu.memory_space<any>> -> memref<1x2048xf32, #tpu.memory_space<any>>
    tpu.enqueue_dma source(%dma_start3A_74 : memref<1x2048xf32, #tpu.memory_space<any>>) target(%dma_start3A_71 : memref<1x2048xf32, #tpu.memory_space<vmem>>) target_semaphore(%arg6 : memref<!tpu.dma_semaphore, #tpu.memory_space<semaphore_mem>>)
    %get3A_75 = arith.constant 7 : index
    %get3A_76 = memref.load %arg1[%get3A_75] : memref<16xi32, #tpu.memory_space<smem>>
    %dma_start3A_77 = arith.constant 7 : i32
    %dma_start3A_78 = arith.constant 7 : i32
    %dma_start3A_79 = arith.constant 0 : i32
    %dma_start3A_80 = arith.constant 0 : i32
    %dma_start3A_81 = tpu.memref_slice %arg5[%dma_start3A_78, %dma_start3A_79, %dma_start3A_80] : memref<16x1x2048xf32, #tpu.memory_space<vmem>> -> memref<1x1x2048xf32, #tpu.memory_space<vmem>>
    %dma_start3A_82 = tpu.memref_squeeze %dma_start3A_81 : memref<1x1x2048xf32, #tpu.memory_space<vmem>> -> memref<1x2048xf32, #tpu.memory_space<vmem>>
    %dma_start3A_83 = arith.constant 0 : i32
    %dma_start3A_84 = tpu.memref_slice %arg4[%dma_start3A_77, %get3A_76, %dma_start3A_83] : memref<16x2048x2048xf32, #tpu.memory_space<any>> -> memref<1x1x2048xf32, #tpu.memory_space<any>>
    %dma_start3A_85 = tpu.memref_squeeze %dma_start3A_84 : memref<1x1x2048xf32, #tpu.memory_space<any>> -> memref<1x2048xf32, #tpu.memory_space<any>>
    tpu.enqueue_dma source(%dma_start3A_85 : memref<1x2048xf32, #tpu.memory_space<any>>) target(%dma_start3A_82 : memref<1x2048xf32, #tpu.memory_space<vmem>>) target_semaphore(%arg6 : memref<!tpu.dma_semaphore, #tpu.memory_space<semaphore_mem>>)
    %get3A_86 = arith.constant 8 : index
    %get3A_87 = memref.load %arg1[%get3A_86] : memref<16xi32, #tpu.memory_space<smem>>
    %dma_start3A_88 = arith.constant 8 : i32
    %dma_start3A_89 = arith.constant 8 : i32
    %dma_start3A_90 = arith.constant 0 : i32
    %dma_start3A_91 = arith.constant 0 : i32
    %dma_start3A_92 = tpu.memref_slice %arg5[%dma_start3A_89, %dma_start3A_90, %dma_start3A_91] : memref<16x1x2048xf32, #tpu.memory_space<vmem>> -> memref<1x1x2048xf32, #tpu.memory_space<vmem>>
    %dma_start3A_93 = tpu.memref_squeeze %dma_start3A_92 : memref<1x1x2048xf32, #tpu.memory_space<vmem>> -> memref<1x2048xf32, #tpu.memory_space<vmem>>
    %dma_start3A_94 = arith.constant 0 : i32
    %dma_start3A_95 = tpu.memref_slice %arg4[%dma_start3A_88, %get3A_87, %dma_start3A_94] : memref<16x2048x2048xf32, #tpu.memory_space<any>> -> memref<1x1x2048xf32, #tpu.memory_space<any>>
    %dma_start3A_96 = tpu.memref_squeeze %dma_start3A_95 : memref<1x1x2048xf32, #tpu.memory_space<any>> -> memref<1x2048xf32, #tpu.memory_space<any>>
    tpu.enqueue_dma source(%dma_start3A_96 : memref<1x2048xf32, #tpu.memory_space<any>>) target(%dma_start3A_93 : memref<1x2048xf32, #tpu.memory_space<vmem>>) target_semaphore(%arg6 : memref<!tpu.dma_semaphore, #tpu.memory_space<semaphore_mem>>)
    %get3A_97 = arith.constant 9 : index
    %get3A_98 = memref.load %arg1[%get3A_97] : memref<16xi32, #tpu.memory_space<smem>>
    %dma_start3A_99 = arith.constant 9 : i32
    %dma_start3A_100 = arith.constant 9 : i32
    %dma_start3A_101 = arith.constant 0 : i32
    %dma_start3A_102 = arith.constant 0 : i32
    %dma_start3A_103 = tpu.memref_slice %arg5[%dma_start3A_100, %dma_start3A_101, %dma_start3A_102] : memref<16x1x2048xf32, #tpu.memory_space<vmem>> -> memref<1x1x2048xf32, #tpu.memory_space<vmem>>
    %dma_start3A_104 = tpu.memref_squeeze %dma_start3A_103 : memref<1x1x2048xf32, #tpu.memory_space<vmem>> -> memref<1x2048xf32, #tpu.memory_space<vmem>>
    %dma_start3A_105 = arith.constant 0 : i32
    %dma_start3A_106 = tpu.memref_slice %arg4[%dma_start3A_99, %get3A_98, %dma_start3A_105] : memref<16x2048x2048xf32, #tpu.memory_space<any>> -> memref<1x1x2048xf32, #tpu.memory_space<any>>
    %dma_start3A_107 = tpu.memref_squeeze %dma_start3A_106 : memref<1x1x2048xf32, #tpu.memory_space<any>> -> memref<1x2048xf32, #tpu.memory_space<any>>
    tpu.enqueue_dma source(%dma_start3A_107 : memref<1x2048xf32, #tpu.memory_space<any>>) target(%dma_start3A_104 : memref<1x2048xf32, #tpu.memory_space<vmem>>) target_semaphore(%arg6 : memref<!tpu.dma_semaphore, #tpu.memory_space<semaphore_mem>>)
    %get3A_108 = arith.constant 10 : index
    %get3A_109 = memref.load %arg1[%get3A_108] : memref<16xi32, #tpu.memory_space<smem>>
    %dma_start3A_110 = arith.constant 10 : i32
    %dma_start3A_111 = arith.constant 10 : i32
    %dma_start3A_112 = arith.constant 0 : i32
    %dma_start3A_113 = arith.constant 0 : i32
    %dma_start3A_114 = tpu.memref_slice %arg5[%dma_start3A_111, %dma_start3A_112, %dma_start3A_113] : memref<16x1x2048xf32, #tpu.memory_space<vmem>> -> memref<1x1x2048xf32, #tpu.memory_space<vmem>>
    %dma_start3A_115 = tpu.memref_squeeze %dma_start3A_114 : memref<1x1x2048xf32, #tpu.memory_space<vmem>> -> memref<1x2048xf32, #tpu.memory_space<vmem>>
    %dma_start3A_116 = arith.constant 0 : i32
    %dma_start3A_117 = tpu.memref_slice %arg4[%dma_start3A_110, %get3A_109, %dma_start3A_116] : memref<16x2048x2048xf32, #tpu.memory_space<any>> -> memref<1x1x2048xf32, #tpu.memory_space<any>>
    %dma_start3A_118 = tpu.memref_squeeze %dma_start3A_117 : memref<1x1x2048xf32, #tpu.memory_space<any>> -> memref<1x2048xf32, #tpu.memory_space<any>>
    tpu.enqueue_dma source(%dma_start3A_118 : memref<1x2048xf32, #tpu.memory_space<any>>) target(%dma_start3A_115 : memref<1x2048xf32, #tpu.memory_space<vmem>>) target_semaphore(%arg6 : memref<!tpu.dma_semaphore, #tpu.memory_space<semaphore_mem>>)
    %get3A_119 = arith.constant 11 : index
    %get3A_120 = memref.load %arg1[%get3A_119] : memref<16xi32, #tpu.memory_space<smem>>
    %dma_start3A_121 = arith.constant 11 : i32
    %dma_start3A_122 = arith.constant 11 : i32
    %dma_start3A_123 = arith.constant 0 : i32
    %dma_start3A_124 = arith.constant 0 : i32
    %dma_start3A_125 = tpu.memref_slice %arg5[%dma_start3A_122, %dma_start3A_123, %dma_start3A_124] : memref<16x1x2048xf32, #tpu.memory_space<vmem>> -> memref<1x1x2048xf32, #tpu.memory_space<vmem>>
    %dma_start3A_126 = tpu.memref_squeeze %dma_start3A_125 : memref<1x1x2048xf32, #tpu.memory_space<vmem>> -> memref<1x2048xf32, #tpu.memory_space<vmem>>
    %dma_start3A_127 = arith.constant 0 : i32
    %dma_start3A_128 = tpu.memref_slice %arg4[%dma_start3A_121, %get3A_120, %dma_start3A_127] : memref<16x2048x2048xf32, #tpu.memory_space<any>> -> memref<1x1x2048xf32, #tpu.memory_space<any>>
    %dma_start3A_129 = tpu.memref_squeeze %dma_start3A_128 : memref<1x1x2048xf32, #tpu.memory_space<any>> -> memref<1x2048xf32, #tpu.memory_space<any>>
    tpu.enqueue_dma source(%dma_start3A_129 : memref<1x2048xf32, #tpu.memory_space<any>>) target(%dma_start3A_126 : memref<1x2048xf32, #tpu.memory_space<vmem>>) target_semaphore(%arg6 : memref<!tpu.dma_semaphore, #tpu.memory_space<semaphore_mem>>)
    %get3A_130 = arith.constant 12 : index
    %get3A_131 = memref.load %arg1[%get3A_130] : memref<16xi32, #tpu.memory_space<smem>>
    %dma_start3A_132 = arith.constant 12 : i32
    %dma_start3A_133 = arith.constant 12 : i32
    %dma_start3A_134 = arith.constant 0 : i32
    %dma_start3A_135 = arith.constant 0 : i32
    %dma_start3A_136 = tpu.memref_slice %arg5[%dma_start3A_133, %dma_start3A_134, %dma_start3A_135] : memref<16x1x2048xf32, #tpu.memory_space<vmem>> -> memref<1x1x2048xf32, #tpu.memory_space<vmem>>
    %dma_start3A_137 = tpu.memref_squeeze %dma_start3A_136 : memref<1x1x2048xf32, #tpu.memory_space<vmem>> -> memref<1x2048xf32, #tpu.memory_space<vmem>>
    %dma_start3A_138 = arith.constant 0 : i32
    %dma_start3A_139 = tpu.memref_slice %arg4[%dma_start3A_132, %get3A_131, %dma_start3A_138] : memref<16x2048x2048xf32, #tpu.memory_space<any>> -> memref<1x1x2048xf32, #tpu.memory_space<any>>
    %dma_start3A_140 = tpu.memref_squeeze %dma_start3A_139 : memref<1x1x2048xf32, #tpu.memory_space<any>> -> memref<1x2048xf32, #tpu.memory_space<any>>
    tpu.enqueue_dma source(%dma_start3A_140 : memref<1x2048xf32, #tpu.memory_space<any>>) target(%dma_start3A_137 : memref<1x2048xf32, #tpu.memory_space<vmem>>) target_semaphore(%arg6 : memref<!tpu.dma_semaphore, #tpu.memory_space<semaphore_mem>>)
    %get3A_141 = arith.constant 13 : index
    %get3A_142 = memref.load %arg1[%get3A_141] : memref<16xi32, #tpu.memory_space<smem>>
    %dma_start3A_143 = arith.constant 13 : i32
    %dma_start3A_144 = arith.constant 13 : i32
    %dma_start3A_145 = arith.constant 0 : i32
    %dma_start3A_146 = arith.constant 0 : i32
    %dma_start3A_147 = tpu.memref_slice %arg5[%dma_start3A_144, %dma_start3A_145, %dma_start3A_146] : memref<16x1x2048xf32, #tpu.memory_space<vmem>> -> memref<1x1x2048xf32, #tpu.memory_space<vmem>>
    %dma_start3A_148 = tpu.memref_squeeze %dma_start3A_147 : memref<1x1x2048xf32, #tpu.memory_space<vmem>> -> memref<1x2048xf32, #tpu.memory_space<vmem>>
    %dma_start3A_149 = arith.constant 0 : i32
    %dma_start3A_150 = tpu.memref_slice %arg4[%dma_start3A_143, %get3A_142, %dma_start3A_149] : memref<16x2048x2048xf32, #tpu.memory_space<any>> -> memref<1x1x2048xf32, #tpu.memory_space<any>>
    %dma_start3A_151 = tpu.memref_squeeze %dma_start3A_150 : memref<1x1x2048xf32, #tpu.memory_space<any>> -> memref<1x2048xf32, #tpu.memory_space<any>>
    tpu.enqueue_dma source(%dma_start3A_151 : memref<1x2048xf32, #tpu.memory_space<any>>) target(%dma_start3A_148 : memref<1x2048xf32, #tpu.memory_space<vmem>>) target_semaphore(%arg6 : memref<!tpu.dma_semaphore, #tpu.memory_space<semaphore_mem>>)
    %get3A_152 = arith.constant 14 : index
    %get3A_153 = memref.load %arg1[%get3A_152] : memref<16xi32, #tpu.memory_space<smem>>
    %dma_start3A_154 = arith.constant 14 : i32
    %dma_start3A_155 = arith.constant 14 : i32
    %dma_start3A_156 = arith.constant 0 : i32
    %dma_start3A_157 = arith.constant 0 : i32
    %dma_start3A_158 = tpu.memref_slice %arg5[%dma_start3A_155, %dma_start3A_156, %dma_start3A_157] : memref<16x1x2048xf32, #tpu.memory_space<vmem>> -> memref<1x1x2048xf32, #tpu.memory_space<vmem>>
    %dma_start3A_159 = tpu.memref_squeeze %dma_start3A_158 : memref<1x1x2048xf32, #tpu.memory_space<vmem>> -> memref<1x2048xf32, #tpu.memory_space<vmem>>
    %dma_start3A_160 = arith.constant 0 : i32
    %dma_start3A_161 = tpu.memref_slice %arg4[%dma_start3A_154, %get3A_153, %dma_start3A_160] : memref<16x2048x2048xf32, #tpu.memory_space<any>> -> memref<1x1x2048xf32, #tpu.memory_space<any>>
    %dma_start3A_162 = tpu.memref_squeeze %dma_start3A_161 : memref<1x1x2048xf32, #tpu.memory_space<any>> -> memref<1x2048xf32, #tpu.memory_space<any>>
    tpu.enqueue_dma source(%dma_start3A_162 : memref<1x2048xf32, #tpu.memory_space<any>>) target(%dma_start3A_159 : memref<1x2048xf32, #tpu.memory_space<vmem>>) target_semaphore(%arg6 : memref<!tpu.dma_semaphore, #tpu.memory_space<semaphore_mem>>)
    %get3A_163 = arith.constant 15 : index
    %get3A_164 = memref.load %arg1[%get3A_163] : memref<16xi32, #tpu.memory_space<smem>>
    %dma_start3A_165 = arith.constant 15 : i32
    %dma_start3A_166 = arith.constant 15 : i32
    %dma_start3A_167 = arith.constant 0 : i32
    %dma_start3A_168 = arith.constant 0 : i32
    %dma_start3A_169 = tpu.memref_slice %arg5[%dma_start3A_166, %dma_start3A_167, %dma_start3A_168] : memref<16x1x2048xf32, #tpu.memory_space<vmem>> -> memref<1x1x2048xf32, #tpu.memory_space<vmem>>
    %dma_start3A_170 = tpu.memref_squeeze %dma_start3A_169 : memref<1x1x2048xf32, #tpu.memory_space<vmem>> -> memref<1x2048xf32, #tpu.memory_space<vmem>>
    %dma_start3A_171 = arith.constant 0 : i32
    %dma_start3A_172 = tpu.memref_slice %arg4[%dma_start3A_165, %get3A_164, %dma_start3A_171] : memref<16x2048x2048xf32, #tpu.memory_space<any>> -> memref<1x1x2048xf32, #tpu.memory_space<any>>
    %dma_start3A_173 = tpu.memref_squeeze %dma_start3A_172 : memref<1x1x2048xf32, #tpu.memory_space<any>> -> memref<1x2048xf32, #tpu.memory_space<any>>
    tpu.enqueue_dma source(%dma_start3A_173 : memref<1x2048xf32, #tpu.memory_space<any>>) target(%dma_start3A_170 : memref<1x2048xf32, #tpu.memory_space<vmem>>) target_semaphore(%arg6 : memref<!tpu.dma_semaphore, #tpu.memory_space<semaphore_mem>>)
    %iota3A = tpu.iota {dimensions = array<i32: 1>} : vector<1x2048xi32>
    %dma_wait3A = arith.constant 0 : i32
    %dma_wait3A_174 = arith.constant 0 : i32
    %dma_wait3A_175 = arith.constant 0 : i32
    %dma_wait3A_176 = arith.constant 0 : i32
    %dma_wait3A_177 = tpu.memref_slice %arg5[%dma_wait3A_174, %dma_wait3A_175, %dma_wait3A_176] : memref<16x1x2048xf32, #tpu.memory_space<vmem>> -> memref<1x1x2048xf32, #tpu.memory_space<vmem>>
    %dma_wait3A_178 = tpu.memref_squeeze %dma_wait3A_177 : memref<1x1x2048xf32, #tpu.memory_space<vmem>> -> memref<1x2048xf32, #tpu.memory_space<vmem>>
    %dma_wait3A_179 = arith.constant 0 : i32
    %dma_wait3A_180 = tpu.memref_slice %arg4[%dma_wait3A, %get3A_0, %dma_wait3A_179] : memref<16x2048x2048xf32, #tpu.memory_space<any>> -> memref<1x1x2048xf32, #tpu.memory_space<any>>
    %dma_wait3A_181 = tpu.memref_squeeze %dma_wait3A_180 : memref<1x1x2048xf32, #tpu.memory_space<any>> -> memref<1x2048xf32, #tpu.memory_space<any>>
    tpu.wait_dma2 semaphore(%arg6 : memref<!tpu.dma_semaphore, #tpu.memory_space<semaphore_mem>>) src(%dma_wait3A_181 : memref<1x2048xf32, #tpu.memory_space<any>>) dst(%dma_wait3A_178 : memref<1x2048xf32, #tpu.memory_space<vmem>>)
    %get3A_182 = arith.constant 0 : index
    %get3A_183 = memref.load %arg0[%get3A_182] : memref<16xi32, #tpu.memory_space<smem>>
    %eq3A = vector.broadcast %get3A_183 : i32 to vector<1x2048xi32>
    %eq3A_184 = arith.cmpi eq, %iota3A, %eq3A : vector<1x2048xi32>
    %get3A_185 = arith.constant 0 : index
    %get3A_186 = memref.load %arg2[%get3A_185] : memref<16xf32, #tpu.memory_space<smem>>
    %get3A_187 = arith.constant 0 : index
    %get3A_188 = arith.constant 0 : index
    %get3A_189 = arith.constant 0 : index
    %get3A_190 = vector.load %arg5[%get3A_187, %get3A_188, %get3A_189] : memref<16x1x2048xf32, #tpu.memory_space<vmem>>, vector<1x1x2048xf32>
    %get3A_191 = vector.shape_cast %get3A_190 : vector<1x1x2048xf32> to vector<1x2048xf32>
    %broadcast_in_dim3A = vector.broadcast %get3A_186 : f32 to vector<1x2048xf32>
    %select_n3A = arith.select %eq3A_184, %broadcast_in_dim3A, %get3A_191 : vector<1x2048xi1>, vector<1x2048xf32>
    %swap3A = arith.constant 0 : index
    %swap3A_192 = arith.constant 0 : index
    %swap3A_193 = arith.constant 0 : index
    %swap3A_194 = vector.load %arg5[%swap3A, %swap3A_192, %swap3A_193] : memref<16x1x2048xf32, #tpu.memory_space<vmem>>, vector<1x1x2048xf32>
    %swap3A_195 = vector.shape_cast %swap3A_194 : vector<1x1x2048xf32> to vector<1x2048xf32>
    %swap3A_196 = vector.shape_cast %select_n3A : vector<1x2048xf32> to vector<1x1x2048xf32>
    tpu.vector_store %arg5[%swap3A, %swap3A_192, %swap3A_193], %swap3A_196 {strides = array<i32>} : memref<16x1x2048xf32, #tpu.memory_space<vmem>>, vector<1x1x2048xf32>,
    %get3A_197 = arith.constant 0 : index
    %get3A_198 = memref.load %arg1[%get3A_197] : memref<16xi32, #tpu.memory_space<smem>>
    %dma_start3A_199 = arith.constant 0 : i32
    %dma_start3A_200 = arith.constant 0 : i32
    %dma_start3A_201 = arith.constant 0 : i32
    %dma_start3A_202 = tpu.memref_slice %arg4[%dma_start3A_200, %get3A_198, %dma_start3A_201] : memref<16x2048x2048xf32, #tpu.memory_space<any>> -> memref<1x1x2048xf32, #tpu.memory_space<any>>
    %dma_start3A_203 = tpu.memref_squeeze %dma_start3A_202 : memref<1x1x2048xf32, #tpu.memory_space<any>> -> memref<1x2048xf32, #tpu.memory_space<any>>
    %dma_start3A_204 = arith.constant 0 : i32
    %dma_start3A_205 = arith.constant 0 : i32
    %dma_start3A_206 = tpu.memref_slice %arg5[%dma_start3A_199, %dma_start3A_204, %dma_start3A_205] : memref<16x1x2048xf32, #tpu.memory_space<vmem>> -> memref<1x1x2048xf32, #tpu.memory_space<vmem>>
    %dma_start3A_207 = tpu.memref_squeeze %dma_start3A_206 : memref<1x1x2048xf32, #tpu.memory_space<vmem>> -> memref<1x2048xf32, #tpu.memory_space<vmem>>
    tpu.enqueue_dma source(%dma_start3A_207 : memref<1x2048xf32, #tpu.memory_space<vmem>>) target(%dma_start3A_203 : memref<1x2048xf32, #tpu.memory_space<any>>) target_semaphore(%arg6 : memref<!tpu.dma_semaphore, #tpu.memory_space<semaphore_mem>>)
    %dma_wait3A_208 = arith.constant 1 : i32
    %dma_wait3A_209 = arith.constant 1 : i32
    %dma_wait3A_210 = arith.constant 0 : i32
    %dma_wait3A_211 = arith.constant 0 : i32
    %dma_wait3A_212 = tpu.memref_slice %arg5[%dma_wait3A_209, %dma_wait3A_210, %dma_wait3A_211] : memref<16x1x2048xf32, #tpu.memory_space<vmem>> -> memref<1x1x2048xf32, #tpu.memory_space<vmem>>
    %dma_wait3A_213 = tpu.memref_squeeze %dma_wait3A_212 : memref<1x1x2048xf32, #tpu.memory_space<vmem>> -> memref<1x2048xf32, #tpu.memory_space<vmem>>
    %dma_wait3A_214 = arith.constant 0 : i32
    %dma_wait3A_215 = tpu.memref_slice %arg4[%dma_wait3A_208, %get3A_10, %dma_wait3A_214] : memref<16x2048x2048xf32, #tpu.memory_space<any>> -> memref<1x1x2048xf32, #tpu.memory_space<any>>
    %dma_wait3A_216 = tpu.memref_squeeze %dma_wait3A_215 : memref<1x1x2048xf32, #tpu.memory_space<any>> -> memref<1x2048xf32, #tpu.memory_space<any>>
    tpu.wait_dma2 semaphore(%arg6 : memref<!tpu.dma_semaphore, #tpu.memory_space<semaphore_mem>>) src(%dma_wait3A_216 : memref<1x2048xf32, #tpu.memory_space<any>>) dst(%dma_wait3A_213 : memref<1x2048xf32, #tpu.memory_space<vmem>>)
    %get3A_217 = arith.constant 1 : index
    %get3A_218 = memref.load %arg0[%get3A_217] : memref<16xi32, #tpu.memory_space<smem>>
    %eq3A_219 = vector.broadcast %get3A_218 : i32 to vector<1x2048xi32>
    %eq3A_220 = arith.cmpi eq, %iota3A, %eq3A_219 : vector<1x2048xi32>
    %get3A_221 = arith.constant 1 : index
    %get3A_222 = memref.load %arg2[%get3A_221] : memref<16xf32, #tpu.memory_space<smem>>
    %get3A_223 = arith.constant 1 : index
    %get3A_224 = arith.constant 0 : index
    %get3A_225 = arith.constant 0 : index
    %get3A_226 = vector.load %arg5[%get3A_223, %get3A_224, %get3A_225] : memref<16x1x2048xf32, #tpu.memory_space<vmem>>, vector<1x1x2048xf32>
    %get3A_227 = vector.shape_cast %get3A_226 : vector<1x1x2048xf32> to vector<1x2048xf32>
    %broadcast_in_dim3A_228 = vector.broadcast %get3A_222 : f32 to vector<1x2048xf32>
    %select_n3A_229 = arith.select %eq3A_220, %broadcast_in_dim3A_228, %get3A_227 : vector<1x2048xi1>, vector<1x2048xf32>
    %swap3A_230 = arith.constant 1 : index
    %swap3A_231 = arith.constant 0 : index
    %swap3A_232 = arith.constant 0 : index
    %swap3A_233 = vector.load %arg5[%swap3A_230, %swap3A_231, %swap3A_232] : memref<16x1x2048xf32, #tpu.memory_space<vmem>>, vector<1x1x2048xf32>
    %swap3A_234 = vector.shape_cast %swap3A_233 : vector<1x1x2048xf32> to vector<1x2048xf32>
    %swap3A_235 = vector.shape_cast %select_n3A_229 : vector<1x2048xf32> to vector<1x1x2048xf32>
    tpu.vector_store %arg5[%swap3A_230, %swap3A_231, %swap3A_232], %swap3A_235 {strides = array<i32>} : memref<16x1x2048xf32, #tpu.memory_space<vmem>>, vector<1x1x2048xf32>,
    %get3A_236 = arith.constant 1 : index
    %get3A_237 = memref.load %arg1[%get3A_236] : memref<16xi32, #tpu.memory_space<smem>>
    %dma_start3A_238 = arith.constant 1 : i32
    %dma_start3A_239 = arith.constant 1 : i32
    %dma_start3A_240 = arith.constant 0 : i32
    %dma_start3A_241 = tpu.memref_slice %arg4[%dma_start3A_239, %get3A_237, %dma_start3A_240] : memref<16x2048x2048xf32, #tpu.memory_space<any>> -> memref<1x1x2048xf32, #tpu.memory_space<any>>
    %dma_start3A_242 = tpu.memref_squeeze %dma_start3A_241 : memref<1x1x2048xf32, #tpu.memory_space<any>> -> memref<1x2048xf32, #tpu.memory_space<any>>
    %dma_start3A_243 = arith.constant 0 : i32
    %dma_start3A_244 = arith.constant 0 : i32
    %dma_start3A_245 = tpu.memref_slice %arg5[%dma_start3A_238, %dma_start3A_243, %dma_start3A_244] : memref<16x1x2048xf32, #tpu.memory_space<vmem>> -> memref<1x1x2048xf32, #tpu.memory_space<vmem>>
    %dma_start3A_246 = tpu.memref_squeeze %dma_start3A_245 : memref<1x1x2048xf32, #tpu.memory_space<vmem>> -> memref<1x2048xf32, #tpu.memory_space<vmem>>
    tpu.enqueue_dma source(%dma_start3A_246 : memref<1x2048xf32, #tpu.memory_space<vmem>>) target(%dma_start3A_242 : memref<1x2048xf32, #tpu.memory_space<any>>) target_semaphore(%arg6 : memref<!tpu.dma_semaphore, #tpu.memory_space<semaphore_mem>>)
    %dma_wait3A_247 = arith.constant 2 : i32
    %dma_wait3A_248 = arith.constant 2 : i32
    %dma_wait3A_249 = arith.constant 0 : i32
    %dma_wait3A_250 = arith.constant 0 : i32
    %dma_wait3A_251 = tpu.memref_slice %arg5[%dma_wait3A_248, %dma_wait3A_249, %dma_wait3A_250] : memref<16x1x2048xf32, #tpu.memory_space<vmem>> -> memref<1x1x2048xf32, #tpu.memory_space<vmem>>
    %dma_wait3A_252 = tpu.memref_squeeze %dma_wait3A_251 : memref<1x1x2048xf32, #tpu.memory_space<vmem>> -> memref<1x2048xf32, #tpu.memory_space<vmem>>
    %dma_wait3A_253 = arith.constant 0 : i32
    %dma_wait3A_254 = tpu.memref_slice %arg4[%dma_wait3A_247, %get3A_21, %dma_wait3A_253] : memref<16x2048x2048xf32, #tpu.memory_space<any>> -> memref<1x1x2048xf32, #tpu.memory_space<any>>
    %dma_wait3A_255 = tpu.memref_squeeze %dma_wait3A_254 : memref<1x1x2048xf32, #tpu.memory_space<any>> -> memref<1x2048xf32, #tpu.memory_space<any>>
    tpu.wait_dma2 semaphore(%arg6 : memref<!tpu.dma_semaphore, #tpu.memory_space<semaphore_mem>>) src(%dma_wait3A_255 : memref<1x2048xf32, #tpu.memory_space<any>>) dst(%dma_wait3A_252 : memref<1x2048xf32, #tpu.memory_space<vmem>>)
    %get3A_256 = arith.constant 2 : index
    %get3A_257 = memref.load %arg0[%get3A_256] : memref<16xi32, #tpu.memory_space<smem>>
    %eq3A_258 = vector.broadcast %get3A_257 : i32 to vector<1x2048xi32>
    %eq3A_259 = arith.cmpi eq, %iota3A, %eq3A_258 : vector<1x2048xi32>
    %get3A_260 = arith.constant 2 : index
    %get3A_261 = memref.load %arg2[%get3A_260] : memref<16xf32, #tpu.memory_space<smem>>
    %get3A_262 = arith.constant 2 : index
    %get3A_263 = arith.constant 0 : index
    %get3A_264 = arith.constant 0 : index
    %get3A_265 = vector.load %arg5[%get3A_262, %get3A_263, %get3A_264] : memref<16x1x2048xf32, #tpu.memory_space<vmem>>, vector<1x1x2048xf32>
    %get3A_266 = vector.shape_cast %get3A_265 : vector<1x1x2048xf32> to vector<1x2048xf32>
    %broadcast_in_dim3A_267 = vector.broadcast %get3A_261 : f32 to vector<1x2048xf32>
    %select_n3A_268 = arith.select %eq3A_259, %broadcast_in_dim3A_267, %get3A_266 : vector<1x2048xi1>, vector<1x2048xf32>
    %swap3A_269 = arith.constant 2 : index
    %swap3A_270 = arith.constant 0 : index
    %swap3A_271 = arith.constant 0 : index
    %swap3A_272 = vector.load %arg5[%swap3A_269, %swap3A_270, %swap3A_271] : memref<16x1x2048xf32, #tpu.memory_space<vmem>>, vector<1x1x2048xf32>
    %swap3A_273 = vector.shape_cast %swap3A_272 : vector<1x1x2048xf32> to vector<1x2048xf32>
    %swap3A_274 = vector.shape_cast %select_n3A_268 : vector<1x2048xf32> to vector<1x1x2048xf32>
    tpu.vector_store %arg5[%swap3A_269, %swap3A_270, %swap3A_271], %swap3A_274 {strides = array<i32>} : memref<16x1x2048xf32, #tpu.memory_space<vmem>>, vector<1x1x2048xf32>,
    %get3A_275 = arith.constant 2 : index
    %get3A_276 = memref.load %arg1[%get3A_275] : memref<16xi32, #tpu.memory_space<smem>>
    %dma_start3A_277 = arith.constant 2 : i32
    %dma_start3A_278 = arith.constant 2 : i32
    %dma_start3A_279 = arith.constant 0 : i32
    %dma_start3A_280 = tpu.memref_slice %arg4[%dma_start3A_278, %get3A_276, %dma_start3A_279] : memref<16x2048x2048xf32, #tpu.memory_space<any>> -> memref<1x1x2048xf32, #tpu.memory_space<any>>
    %dma_start3A_281 = tpu.memref_squeeze %dma_start3A_280 : memref<1x1x2048xf32, #tpu.memory_space<any>> -> memref<1x2048xf32, #tpu.memory_space<any>>
    %dma_start3A_282 = arith.constant 0 : i32
    %dma_start3A_283 = arith.constant 0 : i32
    %dma_start3A_284 = tpu.memref_slice %arg5[%dma_start3A_277, %dma_start3A_282, %dma_start3A_283] : memref<16x1x2048xf32, #tpu.memory_space<vmem>> -> memref<1x1x2048xf32, #tpu.memory_space<vmem>>
    %dma_start3A_285 = tpu.memref_squeeze %dma_start3A_284 : memref<1x1x2048xf32, #tpu.memory_space<vmem>> -> memref<1x2048xf32, #tpu.memory_space<vmem>>
    tpu.enqueue_dma source(%dma_start3A_285 : memref<1x2048xf32, #tpu.memory_space<vmem>>) target(%dma_start3A_281 : memref<1x2048xf32, #tpu.memory_space<any>>) target_semaphore(%arg6 : memref<!tpu.dma_semaphore, #tpu.memory_space<semaphore_mem>>)
    %dma_wait3A_286 = arith.constant 3 : i32
    %dma_wait3A_287 = arith.constant 3 : i32
    %dma_wait3A_288 = arith.constant 0 : i32
    %dma_wait3A_289 = arith.constant 0 : i32
    %dma_wait3A_290 = tpu.memref_slice %arg5[%dma_wait3A_287, %dma_wait3A_288, %dma_wait3A_289] : memref<16x1x2048xf32, #tpu.memory_space<vmem>> -> memref<1x1x2048xf32, #tpu.memory_space<vmem>>
    %dma_wait3A_291 = tpu.memref_squeeze %dma_wait3A_290 : memref<1x1x2048xf32, #tpu.memory_space<vmem>> -> memref<1x2048xf32, #tpu.memory_space<vmem>>
    %dma_wait3A_292 = arith.constant 0 : i32
    %dma_wait3A_293 = tpu.memref_slice %arg4[%dma_wait3A_286, %get3A_32, %dma_wait3A_292] : memref<16x2048x2048xf32, #tpu.memory_space<any>> -> memref<1x1x2048xf32, #tpu.memory_space<any>>
    %dma_wait3A_294 = tpu.memref_squeeze %dma_wait3A_293 : memref<1x1x2048xf32, #tpu.memory_space<any>> -> memref<1x2048xf32, #tpu.memory_space<any>>
    tpu.wait_dma2 semaphore(%arg6 : memref<!tpu.dma_semaphore, #tpu.memory_space<semaphore_mem>>) src(%dma_wait3A_294 : memref<1x2048xf32, #tpu.memory_space<any>>) dst(%dma_wait3A_291 : memref<1x2048xf32, #tpu.memory_space<vmem>>)
    %get3A_295 = arith.constant 3 : index
    %get3A_296 = memref.load %arg0[%get3A_295] : memref<16xi32, #tpu.memory_space<smem>>
    %eq3A_297 = vector.broadcast %get3A_296 : i32 to vector<1x2048xi32>
    %eq3A_298 = arith.cmpi eq, %iota3A, %eq3A_297 : vector<1x2048xi32>
    %get3A_299 = arith.constant 3 : index
    %get3A_300 = memref.load %arg2[%get3A_299] : memref<16xf32, #tpu.memory_space<smem>>
    %get3A_301 = arith.constant 3 : index
    %get3A_302 = arith.constant 0 : index
    %get3A_303 = arith.constant 0 : index
    %get3A_304 = vector.load %arg5[%get3A_301, %get3A_302, %get3A_303] : memref<16x1x2048xf32, #tpu.memory_space<vmem>>, vector<1x1x2048xf32>
    %get3A_305 = vector.shape_cast %get3A_304 : vector<1x1x2048xf32> to vector<1x2048xf32>
    %broadcast_in_dim3A_306 = vector.broadcast %get3A_300 : f32 to vector<1x2048xf32>
    %select_n3A_307 = arith.select %eq3A_298, %broadcast_in_dim3A_306, %get3A_305 : vector<1x2048xi1>, vector<1x2048xf32>
    %swap3A_308 = arith.constant 3 : index
    %swap3A_309 = arith.constant 0 : index
    %swap3A_310 = arith.constant 0 : index
    %swap3A_311 = vector.load %arg5[%swap3A_308, %swap3A_309, %swap3A_310] : memref<16x1x2048xf32, #tpu.memory_space<vmem>>, vector<1x1x2048xf32>
    %swap3A_312 = vector.shape_cast %swap3A_311 : vector<1x1x2048xf32> to vector<1x2048xf32>
    %swap3A_313 = vector.shape_cast %select_n3A_307 : vector<1x2048xf32> to vector<1x1x2048xf32>
    tpu.vector_store %arg5[%swap3A_308, %swap3A_309, %swap3A_310], %swap3A_313 {strides = array<i32>} : memref<16x1x2048xf32, #tpu.memory_space<vmem>>, vector<1x1x2048xf32>,
    %get3A_314 = arith.constant 3 : index
    %get3A_315 = memref.load %arg1[%get3A_314] : memref<16xi32, #tpu.memory_space<smem>>
    %dma_start3A_316 = arith.constant 3 : i32
    %dma_start3A_317 = arith.constant 3 : i32
    %dma_start3A_318 = arith.constant 0 : i32
    %dma_start3A_319 = tpu.memref_slice %arg4[%dma_start3A_317, %get3A_315, %dma_start3A_318] : memref<16x2048x2048xf32, #tpu.memory_space<any>> -> memref<1x1x2048xf32, #tpu.memory_space<any>>
    %dma_start3A_320 = tpu.memref_squeeze %dma_start3A_319 : memref<1x1x2048xf32, #tpu.memory_space<any>> -> memref<1x2048xf32, #tpu.memory_space<any>>
    %dma_start3A_321 = arith.constant 0 : i32
    %dma_start3A_322 = arith.constant 0 : i32
    %dma_start3A_323 = tpu.memref_slice %arg5[%dma_start3A_316, %dma_start3A_321, %dma_start3A_322] : memref<16x1x2048xf32, #tpu.memory_space<vmem>> -> memref<1x1x2048xf32, #tpu.memory_space<vmem>>
    %dma_start3A_324 = tpu.memref_squeeze %dma_start3A_323 : memref<1x1x2048xf32, #tpu.memory_space<vmem>> -> memref<1x2048xf32, #tpu.memory_space<vmem>>
    tpu.enqueue_dma source(%dma_start3A_324 : memref<1x2048xf32, #tpu.memory_space<vmem>>) target(%dma_start3A_320 : memref<1x2048xf32, #tpu.memory_space<any>>) target_semaphore(%arg6 : memref<!tpu.dma_semaphore, #tpu.memory_space<semaphore_mem>>)
    %dma_wait3A_325 = arith.constant 4 : i32
    %dma_wait3A_326 = arith.constant 4 : i32
    %dma_wait3A_327 = arith.constant 0 : i32
    %dma_wait3A_328 = arith.constant 0 : i32
    %dma_wait3A_329 = tpu.memref_slice %arg5[%dma_wait3A_326, %dma_wait3A_327, %dma_wait3A_328] : memref<16x1x2048xf32, #tpu.memory_space<vmem>> -> memref<1x1x2048xf32, #tpu.memory_space<vmem>>
    %dma_wait3A_330 = tpu.memref_squeeze %dma_wait3A_329 : memref<1x1x2048xf32, #tpu.memory_space<vmem>> -> memref<1x2048xf32, #tpu.memory_space<vmem>>
    %dma_wait3A_331 = arith.constant 0 : i32
    %dma_wait3A_332 = tpu.memref_slice %arg4[%dma_wait3A_325, %get3A_43, %dma_wait3A_331] : memref<16x2048x2048xf32, #tpu.memory_space<any>> -> memref<1x1x2048xf32, #tpu.memory_space<any>>
    %dma_wait3A_333 = tpu.memref_squeeze %dma_wait3A_332 : memref<1x1x2048xf32, #tpu.memory_space<any>> -> memref<1x2048xf32, #tpu.memory_space<any>>
    tpu.wait_dma2 semaphore(%arg6 : memref<!tpu.dma_semaphore, #tpu.memory_space<semaphore_mem>>) src(%dma_wait3A_333 : memref<1x2048xf32, #tpu.memory_space<any>>) dst(%dma_wait3A_330 : memref<1x2048xf32, #tpu.memory_space<vmem>>)
    %get3A_334 = arith.constant 4 : index
    %get3A_335 = memref.load %arg0[%get3A_334] : memref<16xi32, #tpu.memory_space<smem>>
    %eq3A_336 = vector.broadcast %get3A_335 : i32 to vector<1x2048xi32>
    %eq3A_337 = arith.cmpi eq, %iota3A, %eq3A_336 : vector<1x2048xi32>
    %get3A_338 = arith.constant 4 : index
    %get3A_339 = memref.load %arg2[%get3A_338] : memref<16xf32, #tpu.memory_space<smem>>
    %get3A_340 = arith.constant 4 : index
    %get3A_341 = arith.constant 0 : index
    %get3A_342 = arith.constant 0 : index
    %get3A_343 = vector.load %arg5[%get3A_340, %get3A_341, %get3A_342] : memref<16x1x2048xf32, #tpu.memory_space<vmem>>, vector<1x1x2048xf32>
    %get3A_344 = vector.shape_cast %get3A_343 : vector<1x1x2048xf32> to vector<1x2048xf32>
    %broadcast_in_dim3A_345 = vector.broadcast %get3A_339 : f32 to vector<1x2048xf32>
    %select_n3A_346 = arith.select %eq3A_337, %broadcast_in_dim3A_345, %get3A_344 : vector<1x2048xi1>, vector<1x2048xf32>
    %swap3A_347 = arith.constant 4 : index
    %swap3A_348 = arith.constant 0 : index
    %swap3A_349 = arith.constant 0 : index
    %swap3A_350 = vector.load %arg5[%swap3A_347, %swap3A_348, %swap3A_349] : memref<16x1x2048xf32, #tpu.memory_space<vmem>>, vector<1x1x2048xf32>
    %swap3A_351 = vector.shape_cast %swap3A_350 : vector<1x1x2048xf32> to vector<1x2048xf32>
    %swap3A_352 = vector.shape_cast %select_n3A_346 : vector<1x2048xf32> to vector<1x1x2048xf32>
    tpu.vector_store %arg5[%swap3A_347, %swap3A_348, %swap3A_349], %swap3A_352 {strides = array<i32>} : memref<16x1x2048xf32, #tpu.memory_space<vmem>>, vector<1x1x2048xf32>,
    %get3A_353 = arith.constant 4 : index
    %get3A_354 = memref.load %arg1[%get3A_353] : memref<16xi32, #tpu.memory_space<smem>>
    %dma_start3A_355 = arith.constant 4 : i32
    %dma_start3A_356 = arith.constant 4 : i32
    %dma_start3A_357 = arith.constant 0 : i32
    %dma_start3A_358 = tpu.memref_slice %arg4[%dma_start3A_356, %get3A_354, %dma_start3A_357] : memref<16x2048x2048xf32, #tpu.memory_space<any>> -> memref<1x1x2048xf32, #tpu.memory_space<any>>
    %dma_start3A_359 = tpu.memref_squeeze %dma_start3A_358 : memref<1x1x2048xf32, #tpu.memory_space<any>> -> memref<1x2048xf32, #tpu.memory_space<any>>
    %dma_start3A_360 = arith.constant 0 : i32
    %dma_start3A_361 = arith.constant 0 : i32
    %dma_start3A_362 = tpu.memref_slice %arg5[%dma_start3A_355, %dma_start3A_360, %dma_start3A_361] : memref<16x1x2048xf32, #tpu.memory_space<vmem>> -> memref<1x1x2048xf32, #tpu.memory_space<vmem>>
    %dma_start3A_363 = tpu.memref_squeeze %dma_start3A_362 : memref<1x1x2048xf32, #tpu.memory_space<vmem>> -> memref<1x2048xf32, #tpu.memory_space<vmem>>
    tpu.enqueue_dma source(%dma_start3A_363 : memref<1x2048xf32, #tpu.memory_space<vmem>>) target(%dma_start3A_359 : memref<1x2048xf32, #tpu.memory_space<any>>) target_semaphore(%arg6 : memref<!tpu.dma_semaphore, #tpu.memory_space<semaphore_mem>>)
    %dma_wait3A_364 = arith.constant 5 : i32
    %dma_wait3A_365 = arith.constant 5 : i32
    %dma_wait3A_366 = arith.constant 0 : i32
    %dma_wait3A_367 = arith.constant 0 : i32
    %dma_wait3A_368 = tpu.memref_slice %arg5[%dma_wait3A_365, %dma_wait3A_366, %dma_wait3A_367] : memref<16x1x2048xf32, #tpu.memory_space<vmem>> -> memref<1x1x2048xf32, #tpu.memory_space<vmem>>
    %dma_wait3A_369 = tpu.memref_squeeze %dma_wait3A_368 : memref<1x1x2048xf32, #tpu.memory_space<vmem>> -> memref<1x2048xf32, #tpu.memory_space<vmem>>
    %dma_wait3A_370 = arith.constant 0 : i32
    %dma_wait3A_371 = tpu.memref_slice %arg4[%dma_wait3A_364, %get3A_54, %dma_wait3A_370] : memref<16x2048x2048xf32, #tpu.memory_space<any>> -> memref<1x1x2048xf32, #tpu.memory_space<any>>
    %dma_wait3A_372 = tpu.memref_squeeze %dma_wait3A_371 : memref<1x1x2048xf32, #tpu.memory_space<any>> -> memref<1x2048xf32, #tpu.memory_space<any>>
    tpu.wait_dma2 semaphore(%arg6 : memref<!tpu.dma_semaphore, #tpu.memory_space<semaphore_mem>>) src(%dma_wait3A_372 : memref<1x2048xf32, #tpu.memory_space<any>>) dst(%dma_wait3A_369 : memref<1x2048xf32, #tpu.memory_space<vmem>>)
    %get3A_373 = arith.constant 5 : index
    %get3A_374 = memref.load %arg0[%get3A_373] : memref<16xi32, #tpu.memory_space<smem>>
    %eq3A_375 = vector.broadcast %get3A_374 : i32 to vector<1x2048xi32>
    %eq3A_376 = arith.cmpi eq, %iota3A, %eq3A_375 : vector<1x2048xi32>
    %get3A_377 = arith.constant 5 : index
    %get3A_378 = memref.load %arg2[%get3A_377] : memref<16xf32, #tpu.memory_space<smem>>
    %get3A_379 = arith.constant 5 : index
    %get3A_380 = arith.constant 0 : index
    %get3A_381 = arith.constant 0 : index
    %get3A_382 = vector.load %arg5[%get3A_379, %get3A_380, %get3A_381] : memref<16x1x2048xf32, #tpu.memory_space<vmem>>, vector<1x1x2048xf32>
    %get3A_383 = vector.shape_cast %get3A_382 : vector<1x1x2048xf32> to vector<1x2048xf32>
    %broadcast_in_dim3A_384 = vector.broadcast %get3A_378 : f32 to vector<1x2048xf32>
    %select_n3A_385 = arith.select %eq3A_376, %broadcast_in_dim3A_384, %get3A_383 : vector<1x2048xi1>, vector<1x2048xf32>
    %swap3A_386 = arith.constant 5 : index
    %swap3A_387 = arith.constant 0 : index
    %swap3A_388 = arith.constant 0 : index
    %swap3A_389 = vector.load %arg5[%swap3A_386, %swap3A_387, %swap3A_388] : memref<16x1x2048xf32, #tpu.memory_space<vmem>>, vector<1x1x2048xf32>
    %swap3A_390 = vector.shape_cast %swap3A_389 : vector<1x1x2048xf32> to vector<1x2048xf32>
    %swap3A_391 = vector.shape_cast %select_n3A_385 : vector<1x2048xf32> to vector<1x1x2048xf32>
    tpu.vector_store %arg5[%swap3A_386, %swap3A_387, %swap3A_388], %swap3A_391 {strides = array<i32>} : memref<16x1x2048xf32, #tpu.memory_space<vmem>>, vector<1x1x2048xf32>,
    %get3A_392 = arith.constant 5 : index
    %get3A_393 = memref.load %arg1[%get3A_392] : memref<16xi32, #tpu.memory_space<smem>>
    %dma_start3A_394 = arith.constant 5 : i32
    %dma_start3A_395 = arith.constant 5 : i32
    %dma_start3A_396 = arith.constant 0 : i32
    %dma_start3A_397 = tpu.memref_slice %arg4[%dma_start3A_395, %get3A_393, %dma_start3A_396] : memref<16x2048x2048xf32, #tpu.memory_space<any>> -> memref<1x1x2048xf32, #tpu.memory_space<any>>
    %dma_start3A_398 = tpu.memref_squeeze %dma_start3A_397 : memref<1x1x2048xf32, #tpu.memory_space<any>> -> memref<1x2048xf32, #tpu.memory_space<any>>
    %dma_start3A_399 = arith.constant 0 : i32
    %dma_start3A_400 = arith.constant 0 : i32
    %dma_start3A_401 = tpu.memref_slice %arg5[%dma_start3A_394, %dma_start3A_399, %dma_start3A_400] : memref<16x1x2048xf32, #tpu.memory_space<vmem>> -> memref<1x1x2048xf32, #tpu.memory_space<vmem>>
    %dma_start3A_402 = tpu.memref_squeeze %dma_start3A_401 : memref<1x1x2048xf32, #tpu.memory_space<vmem>> -> memref<1x2048xf32, #tpu.memory_space<vmem>>
    tpu.enqueue_dma source(%dma_start3A_402 : memref<1x2048xf32, #tpu.memory_space<vmem>>) target(%dma_start3A_398 : memref<1x2048xf32, #tpu.memory_space<any>>) target_semaphore(%arg6 : memref<!tpu.dma_semaphore, #tpu.memory_space<semaphore_mem>>)
    %dma_wait3A_403 = arith.constant 6 : i32
    %dma_wait3A_404 = arith.constant 6 : i32
    %dma_wait3A_405 = arith.constant 0 : i32
    %dma_wait3A_406 = arith.constant 0 : i32
    %dma_wait3A_407 = tpu.memref_slice %arg5[%dma_wait3A_404, %dma_wait3A_405, %dma_wait3A_406] : memref<16x1x2048xf32, #tpu.memory_space<vmem>> -> memref<1x1x2048xf32, #tpu.memory_space<vmem>>
    %dma_wait3A_408 = tpu.memref_squeeze %dma_wait3A_407 : memref<1x1x2048xf32, #tpu.memory_space<vmem>> -> memref<1x2048xf32, #tpu.memory_space<vmem>>
    %dma_wait3A_409 = arith.constant 0 : i32
    %dma_wait3A_410 = tpu.memref_slice %arg4[%dma_wait3A_403, %get3A_65, %dma_wait3A_409] : memref<16x2048x2048xf32, #tpu.memory_space<any>> -> memref<1x1x2048xf32, #tpu.memory_space<any>>
    %dma_wait3A_411 = tpu.memref_squeeze %dma_wait3A_410 : memref<1x1x2048xf32, #tpu.memory_space<any>> -> memref<1x2048xf32, #tpu.memory_space<any>>
    tpu.wait_dma2 semaphore(%arg6 : memref<!tpu.dma_semaphore, #tpu.memory_space<semaphore_mem>>) src(%dma_wait3A_411 : memref<1x2048xf32, #tpu.memory_space<any>>) dst(%dma_wait3A_408 : memref<1x2048xf32, #tpu.memory_space<vmem>>)
    %get3A_412 = arith.constant 6 : index
    %get3A_413 = memref.load %arg0[%get3A_412] : memref<16xi32, #tpu.memory_space<smem>>
    %eq3A_414 = vector.broadcast %get3A_413 : i32 to vector<1x2048xi32>
    %eq3A_415 = arith.cmpi eq, %iota3A, %eq3A_414 : vector<1x2048xi32>
    %get3A_416 = arith.constant 6 : index
    %get3A_417 = memref.load %arg2[%get3A_416] : memref<16xf32, #tpu.memory_space<smem>>
    %get3A_418 = arith.constant 6 : index
    %get3A_419 = arith.constant 0 : index
    %get3A_420 = arith.constant 0 : index
    %get3A_421 = vector.load %arg5[%get3A_418, %get3A_419, %get3A_420] : memref<16x1x2048xf32, #tpu.memory_space<vmem>>, vector<1x1x2048xf32>
    %get3A_422 = vector.shape_cast %get3A_421 : vector<1x1x2048xf32> to vector<1x2048xf32>
    %broadcast_in_dim3A_423 = vector.broadcast %get3A_417 : f32 to vector<1x2048xf32>
    %select_n3A_424 = arith.select %eq3A_415, %broadcast_in_dim3A_423, %get3A_422 : vector<1x2048xi1>, vector<1x2048xf32>
    %swap3A_425 = arith.constant 6 : index
    %swap3A_426 = arith.constant 0 : index
    %swap3A_427 = arith.constant 0 : index
    %swap3A_428 = vector.load %arg5[%swap3A_425, %swap3A_426, %swap3A_427] : memref<16x1x2048xf32, #tpu.memory_space<vmem>>, vector<1x1x2048xf32>
    %swap3A_429 = vector.shape_cast %swap3A_428 : vector<1x1x2048xf32> to vector<1x2048xf32>
    %swap3A_430 = vector.shape_cast %select_n3A_424 : vector<1x2048xf32> to vector<1x1x2048xf32>
    tpu.vector_store %arg5[%swap3A_425, %swap3A_426, %swap3A_427], %swap3A_430 {strides = array<i32>} : memref<16x1x2048xf32, #tpu.memory_space<vmem>>, vector<1x1x2048xf32>,
    %get3A_431 = arith.constant 6 : index
    %get3A_432 = memref.load %arg1[%get3A_431] : memref<16xi32, #tpu.memory_space<smem>>
    %dma_start3A_433 = arith.constant 6 : i32
    %dma_start3A_434 = arith.constant 6 : i32
    %dma_start3A_435 = arith.constant 0 : i32
    %dma_start3A_436 = tpu.memref_slice %arg4[%dma_start3A_434, %get3A_432, %dma_start3A_435] : memref<16x2048x2048xf32, #tpu.memory_space<any>> -> memref<1x1x2048xf32, #tpu.memory_space<any>>
    %dma_start3A_437 = tpu.memref_squeeze %dma_start3A_436 : memref<1x1x2048xf32, #tpu.memory_space<any>> -> memref<1x2048xf32, #tpu.memory_space<any>>
    %dma_start3A_438 = arith.constant 0 : i32
    %dma_start3A_439 = arith.constant 0 : i32
    %dma_start3A_440 = tpu.memref_slice %arg5[%dma_start3A_433, %dma_start3A_438, %dma_start3A_439] : memref<16x1x2048xf32, #tpu.memory_space<vmem>> -> memref<1x1x2048xf32, #tpu.memory_space<vmem>>
    %dma_start3A_441 = tpu.memref_squeeze %dma_start3A_440 : memref<1x1x2048xf32, #tpu.memory_space<vmem>> -> memref<1x2048xf32, #tpu.memory_space<vmem>>
    tpu.enqueue_dma source(%dma_start3A_441 : memref<1x2048xf32, #tpu.memory_space<vmem>>) target(%dma_start3A_437 : memref<1x2048xf32, #tpu.memory_space<any>>) target_semaphore(%arg6 : memref<!tpu.dma_semaphore, #tpu.memory_space<semaphore_mem>>)
    %dma_wait3A_442 = arith.constant 7 : i32
    %dma_wait3A_443 = arith.constant 7 : i32
    %dma_wait3A_444 = arith.constant 0 : i32
    %dma_wait3A_445 = arith.constant 0 : i32
    %dma_wait3A_446 = tpu.memref_slice %arg5[%dma_wait3A_443, %dma_wait3A_444, %dma_wait3A_445] : memref<16x1x2048xf32, #tpu.memory_space<vmem>> -> memref<1x1x2048xf32, #tpu.memory_space<vmem>>
    %dma_wait3A_447 = tpu.memref_squeeze %dma_wait3A_446 : memref<1x1x2048xf32, #tpu.memory_space<vmem>> -> memref<1x2048xf32, #tpu.memory_space<vmem>>
    %dma_wait3A_448 = arith.constant 0 : i32
    %dma_wait3A_449 = tpu.memref_slice %arg4[%dma_wait3A_442, %get3A_76, %dma_wait3A_448] : memref<16x2048x2048xf32, #tpu.memory_space<any>> -> memref<1x1x2048xf32, #tpu.memory_space<any>>
    %dma_wait3A_450 = tpu.memref_squeeze %dma_wait3A_449 : memref<1x1x2048xf32, #tpu.memory_space<any>> -> memref<1x2048xf32, #tpu.memory_space<any>>
    tpu.wait_dma2 semaphore(%arg6 : memref<!tpu.dma_semaphore, #tpu.memory_space<semaphore_mem>>) src(%dma_wait3A_450 : memref<1x2048xf32, #tpu.memory_space<any>>) dst(%dma_wait3A_447 : memref<1x2048xf32, #tpu.memory_space<vmem>>)
    %get3A_451 = arith.constant 7 : index
    %get3A_452 = memref.load %arg0[%get3A_451] : memref<16xi32, #tpu.memory_space<smem>>
    %eq3A_453 = vector.broadcast %get3A_452 : i32 to vector<1x2048xi32>
    %eq3A_454 = arith.cmpi eq, %iota3A, %eq3A_453 : vector<1x2048xi32>
    %get3A_455 = arith.constant 7 : index
    %get3A_456 = memref.load %arg2[%get3A_455] : memref<16xf32, #tpu.memory_space<smem>>
    %get3A_457 = arith.constant 7 : index
    %get3A_458 = arith.constant 0 : index
    %get3A_459 = arith.constant 0 : index
    %get3A_460 = vector.load %arg5[%get3A_457, %get3A_458, %get3A_459] : memref<16x1x2048xf32, #tpu.memory_space<vmem>>, vector<1x1x2048xf32>
    %get3A_461 = vector.shape_cast %get3A_460 : vector<1x1x2048xf32> to vector<1x2048xf32>
    %broadcast_in_dim3A_462 = vector.broadcast %get3A_456 : f32 to vector<1x2048xf32>
    %select_n3A_463 = arith.select %eq3A_454, %broadcast_in_dim3A_462, %get3A_461 : vector<1x2048xi1>, vector<1x2048xf32>
    %swap3A_464 = arith.constant 7 : index
    %swap3A_465 = arith.constant 0 : index
    %swap3A_466 = arith.constant 0 : index
    %swap3A_467 = vector.load %arg5[%swap3A_464, %swap3A_465, %swap3A_466] : memref<16x1x2048xf32, #tpu.memory_space<vmem>>, vector<1x1x2048xf32>
    %swap3A_468 = vector.shape_cast %swap3A_467 : vector<1x1x2048xf32> to vector<1x2048xf32>
    %swap3A_469 = vector.shape_cast %select_n3A_463 : vector<1x2048xf32> to vector<1x1x2048xf32>
    tpu.vector_store %arg5[%swap3A_464, %swap3A_465, %swap3A_466], %swap3A_469 {strides = array<i32>} : memref<16x1x2048xf32, #tpu.memory_space<vmem>>, vector<1x1x2048xf32>,
    %get3A_470 = arith.constant 7 : index
    %get3A_471 = memref.load %arg1[%get3A_470] : memref<16xi32, #tpu.memory_space<smem>>
    %dma_start3A_472 = arith.constant 7 : i32
    %dma_start3A_473 = arith.constant 7 : i32
    %dma_start3A_474 = arith.constant 0 : i32
    %dma_start3A_475 = tpu.memref_slice %arg4[%dma_start3A_473, %get3A_471, %dma_start3A_474] : memref<16x2048x2048xf32, #tpu.memory_space<any>> -> memref<1x1x2048xf32, #tpu.memory_space<any>>
    %dma_start3A_476 = tpu.memref_squeeze %dma_start3A_475 : memref<1x1x2048xf32, #tpu.memory_space<any>> -> memref<1x2048xf32, #tpu.memory_space<any>>
    %dma_start3A_477 = arith.constant 0 : i32
    %dma_start3A_478 = arith.constant 0 : i32
    %dma_start3A_479 = tpu.memref_slice %arg5[%dma_start3A_472, %dma_start3A_477, %dma_start3A_478] : memref<16x1x2048xf32, #tpu.memory_space<vmem>> -> memref<1x1x2048xf32, #tpu.memory_space<vmem>>
    %dma_start3A_480 = tpu.memref_squeeze %dma_start3A_479 : memref<1x1x2048xf32, #tpu.memory_space<vmem>> -> memref<1x2048xf32, #tpu.memory_space<vmem>>
    tpu.enqueue_dma source(%dma_start3A_480 : memref<1x2048xf32, #tpu.memory_space<vmem>>) target(%dma_start3A_476 : memref<1x2048xf32, #tpu.memory_space<any>>) target_semaphore(%arg6 : memref<!tpu.dma_semaphore, #tpu.memory_space<semaphore_mem>>)
    %dma_wait3A_481 = arith.constant 8 : i32
    %dma_wait3A_482 = arith.constant 8 : i32
    %dma_wait3A_483 = arith.constant 0 : i32
    %dma_wait3A_484 = arith.constant 0 : i32
    %dma_wait3A_485 = tpu.memref_slice %arg5[%dma_wait3A_482, %dma_wait3A_483, %dma_wait3A_484] : memref<16x1x2048xf32, #tpu.memory_space<vmem>> -> memref<1x1x2048xf32, #tpu.memory_space<vmem>>
    %dma_wait3A_486 = tpu.memref_squeeze %dma_wait3A_485 : memref<1x1x2048xf32, #tpu.memory_space<vmem>> -> memref<1x2048xf32, #tpu.memory_space<vmem>>
    %dma_wait3A_487 = arith.constant 0 : i32
    %dma_wait3A_488 = tpu.memref_slice %arg4[%dma_wait3A_481, %get3A_87, %dma_wait3A_487] : memref<16x2048x2048xf32, #tpu.memory_space<any>> -> memref<1x1x2048xf32, #tpu.memory_space<any>>
    %dma_wait3A_489 = tpu.memref_squeeze %dma_wait3A_488 : memref<1x1x2048xf32, #tpu.memory_space<any>> -> memref<1x2048xf32, #tpu.memory_space<any>>
    tpu.wait_dma2 semaphore(%arg6 : memref<!tpu.dma_semaphore, #tpu.memory_space<semaphore_mem>>) src(%dma_wait3A_489 : memref<1x2048xf32, #tpu.memory_space<any>>) dst(%dma_wait3A_486 : memref<1x2048xf32, #tpu.memory_space<vmem>>)
    %get3A_490 = arith.constant 8 : index
    %get3A_491 = memref.load %arg0[%get3A_490] : memref<16xi32, #tpu.memory_space<smem>>
    %eq3A_492 = vector.broadcast %get3A_491 : i32 to vector<1x2048xi32>
    %eq3A_493 = arith.cmpi eq, %iota3A, %eq3A_492 : vector<1x2048xi32>
    %get3A_494 = arith.constant 8 : index
    %get3A_495 = memref.load %arg2[%get3A_494] : memref<16xf32, #tpu.memory_space<smem>>
    %get3A_496 = arith.constant 8 : index
    %get3A_497 = arith.constant 0 : index
    %get3A_498 = arith.constant 0 : index
    %get3A_499 = vector.load %arg5[%get3A_496, %get3A_497, %get3A_498] : memref<16x1x2048xf32, #tpu.memory_space<vmem>>, vector<1x1x2048xf32>
    %get3A_500 = vector.shape_cast %get3A_499 : vector<1x1x2048xf32> to vector<1x2048xf32>
    %broadcast_in_dim3A_501 = vector.broadcast %get3A_495 : f32 to vector<1x2048xf32>
    %select_n3A_502 = arith.select %eq3A_493, %broadcast_in_dim3A_501, %get3A_500 : vector<1x2048xi1>, vector<1x2048xf32>
    %swap3A_503 = arith.constant 8 : index
    %swap3A_504 = arith.constant 0 : index
    %swap3A_505 = arith.constant 0 : index
    %swap3A_506 = vector.load %arg5[%swap3A_503, %swap3A_504, %swap3A_505] : memref<16x1x2048xf32, #tpu.memory_space<vmem>>, vector<1x1x2048xf32>
    %swap3A_507 = vector.shape_cast %swap3A_506 : vector<1x1x2048xf32> to vector<1x2048xf32>
    %swap3A_508 = vector.shape_cast %select_n3A_502 : vector<1x2048xf32> to vector<1x1x2048xf32>
    tpu.vector_store %arg5[%swap3A_503, %swap3A_504, %swap3A_505], %swap3A_508 {strides = array<i32>} : memref<16x1x2048xf32, #tpu.memory_space<vmem>>, vector<1x1x2048xf32>,
    %get3A_509 = arith.constant 8 : index
    %get3A_510 = memref.load %arg1[%get3A_509] : memref<16xi32, #tpu.memory_space<smem>>
    %dma_start3A_511 = arith.constant 8 : i32
    %dma_start3A_512 = arith.constant 8 : i32
    %dma_start3A_513 = arith.constant 0 : i32
    %dma_start3A_514 = tpu.memref_slice %arg4[%dma_start3A_512, %get3A_510, %dma_start3A_513] : memref<16x2048x2048xf32, #tpu.memory_space<any>> -> memref<1x1x2048xf32, #tpu.memory_space<any>>
    %dma_start3A_515 = tpu.memref_squeeze %dma_start3A_514 : memref<1x1x2048xf32, #tpu.memory_space<any>> -> memref<1x2048xf32, #tpu.memory_space<any>>
    %dma_start3A_516 = arith.constant 0 : i32
    %dma_start3A_517 = arith.constant 0 : i32
    %dma_start3A_518 = tpu.memref_slice %arg5[%dma_start3A_511, %dma_start3A_516, %dma_start3A_517] : memref<16x1x2048xf32, #tpu.memory_space<vmem>> -> memref<1x1x2048xf32, #tpu.memory_space<vmem>>
    %dma_start3A_519 = tpu.memref_squeeze %dma_start3A_518 : memref<1x1x2048xf32, #tpu.memory_space<vmem>> -> memref<1x2048xf32, #tpu.memory_space<vmem>>
    tpu.enqueue_dma source(%dma_start3A_519 : memref<1x2048xf32, #tpu.memory_space<vmem>>) target(%dma_start3A_515 : memref<1x2048xf32, #tpu.memory_space<any>>) target_semaphore(%arg6 : memref<!tpu.dma_semaphore, #tpu.memory_space<semaphore_mem>>)
    %dma_wait3A_520 = arith.constant 9 : i32
    %dma_wait3A_521 = arith.constant 9 : i32
    %dma_wait3A_522 = arith.constant 0 : i32
    %dma_wait3A_523 = arith.constant 0 : i32
    %dma_wait3A_524 = tpu.memref_slice %arg5[%dma_wait3A_521, %dma_wait3A_522, %dma_wait3A_523] : memref<16x1x2048xf32, #tpu.memory_space<vmem>> -> memref<1x1x2048xf32, #tpu.memory_space<vmem>>
    %dma_wait3A_525 = tpu.memref_squeeze %dma_wait3A_524 : memref<1x1x2048xf32, #tpu.memory_space<vmem>> -> memref<1x2048xf32, #tpu.memory_space<vmem>>
    %dma_wait3A_526 = arith.constant 0 : i32
    %dma_wait3A_527 = tpu.memref_slice %arg4[%dma_wait3A_520, %get3A_98, %dma_wait3A_526] : memref<16x2048x2048xf32, #tpu.memory_space<any>> -> memref<1x1x2048xf32, #tpu.memory_space<any>>
    %dma_wait3A_528 = tpu.memref_squeeze %dma_wait3A_527 : memref<1x1x2048xf32, #tpu.memory_space<any>> -> memref<1x2048xf32, #tpu.memory_space<any>>
    tpu.wait_dma2 semaphore(%arg6 : memref<!tpu.dma_semaphore, #tpu.memory_space<semaphore_mem>>) src(%dma_wait3A_528 : memref<1x2048xf32, #tpu.memory_space<any>>) dst(%dma_wait3A_525 : memref<1x2048xf32, #tpu.memory_space<vmem>>)
    %get3A_529 = arith.constant 9 : index
    %get3A_530 = memref.load %arg0[%get3A_529] : memref<16xi32, #tpu.memory_space<smem>>
    %eq3A_531 = vector.broadcast %get3A_530 : i32 to vector<1x2048xi32>
    %eq3A_532 = arith.cmpi eq, %iota3A, %eq3A_531 : vector<1x2048xi32>
    %get3A_533 = arith.constant 9 : index
    %get3A_534 = memref.load %arg2[%get3A_533] : memref<16xf32, #tpu.memory_space<smem>>
    %get3A_535 = arith.constant 9 : index
    %get3A_536 = arith.constant 0 : index
    %get3A_537 = arith.constant 0 : index
    %get3A_538 = vector.load %arg5[%get3A_535, %get3A_536, %get3A_537] : memref<16x1x2048xf32, #tpu.memory_space<vmem>>, vector<1x1x2048xf32>
    %get3A_539 = vector.shape_cast %get3A_538 : vector<1x1x2048xf32> to vector<1x2048xf32>
    %broadcast_in_dim3A_540 = vector.broadcast %get3A_534 : f32 to vector<1x2048xf32>
    %select_n3A_541 = arith.select %eq3A_532, %broadcast_in_dim3A_540, %get3A_539 : vector<1x2048xi1>, vector<1x2048xf32>
    %swap3A_542 = arith.constant 9 : index
    %swap3A_543 = arith.constant 0 : index
    %swap3A_544 = arith.constant 0 : index
    %swap3A_545 = vector.load %arg5[%swap3A_542, %swap3A_543, %swap3A_544] : memref<16x1x2048xf32, #tpu.memory_space<vmem>>, vector<1x1x2048xf32>
    %swap3A_546 = vector.shape_cast %swap3A_545 : vector<1x1x2048xf32> to vector<1x2048xf32>
    %swap3A_547 = vector.shape_cast %select_n3A_541 : vector<1x2048xf32> to vector<1x1x2048xf32>
    tpu.vector_store %arg5[%swap3A_542, %swap3A_543, %swap3A_544], %swap3A_547 {strides = array<i32>} : memref<16x1x2048xf32, #tpu.memory_space<vmem>>, vector<1x1x2048xf32>,
    %get3A_548 = arith.constant 9 : index
    %get3A_549 = memref.load %arg1[%get3A_548] : memref<16xi32, #tpu.memory_space<smem>>
    %dma_start3A_550 = arith.constant 9 : i32
    %dma_start3A_551 = arith.constant 9 : i32
    %dma_start3A_552 = arith.constant 0 : i32
    %dma_start3A_553 = tpu.memref_slice %arg4[%dma_start3A_551, %get3A_549, %dma_start3A_552] : memref<16x2048x2048xf32, #tpu.memory_space<any>> -> memref<1x1x2048xf32, #tpu.memory_space<any>>
    %dma_start3A_554 = tpu.memref_squeeze %dma_start3A_553 : memref<1x1x2048xf32, #tpu.memory_space<any>> -> memref<1x2048xf32, #tpu.memory_space<any>>
    %dma_start3A_555 = arith.constant 0 : i32
    %dma_start3A_556 = arith.constant 0 : i32
    %dma_start3A_557 = tpu.memref_slice %arg5[%dma_start3A_550, %dma_start3A_555, %dma_start3A_556] : memref<16x1x2048xf32, #tpu.memory_space<vmem>> -> memref<1x1x2048xf32, #tpu.memory_space<vmem>>
    %dma_start3A_558 = tpu.memref_squeeze %dma_start3A_557 : memref<1x1x2048xf32, #tpu.memory_space<vmem>> -> memref<1x2048xf32, #tpu.memory_space<vmem>>
    tpu.enqueue_dma source(%dma_start3A_558 : memref<1x2048xf32, #tpu.memory_space<vmem>>) target(%dma_start3A_554 : memref<1x2048xf32, #tpu.memory_space<any>>) target_semaphore(%arg6 : memref<!tpu.dma_semaphore, #tpu.memory_space<semaphore_mem>>)
    %dma_wait3A_559 = arith.constant 10 : i32
    %dma_wait3A_560 = arith.constant 10 : i32
    %dma_wait3A_561 = arith.constant 0 : i32
    %dma_wait3A_562 = arith.constant 0 : i32
    %dma_wait3A_563 = tpu.memref_slice %arg5[%dma_wait3A_560, %dma_wait3A_561, %dma_wait3A_562] : memref<16x1x2048xf32, #tpu.memory_space<vmem>> -> memref<1x1x2048xf32, #tpu.memory_space<vmem>>
    %dma_wait3A_564 = tpu.memref_squeeze %dma_wait3A_563 : memref<1x1x2048xf32, #tpu.memory_space<vmem>> -> memref<1x2048xf32, #tpu.memory_space<vmem>>
    %dma_wait3A_565 = arith.constant 0 : i32
    %dma_wait3A_566 = tpu.memref_slice %arg4[%dma_wait3A_559, %get3A_109, %dma_wait3A_565] : memref<16x2048x2048xf32, #tpu.memory_space<any>> -> memref<1x1x2048xf32, #tpu.memory_space<any>>
    %dma_wait3A_567 = tpu.memref_squeeze %dma_wait3A_566 : memref<1x1x2048xf32, #tpu.memory_space<any>> -> memref<1x2048xf32, #tpu.memory_space<any>>
    tpu.wait_dma2 semaphore(%arg6 : memref<!tpu.dma_semaphore, #tpu.memory_space<semaphore_mem>>) src(%dma_wait3A_567 : memref<1x2048xf32, #tpu.memory_space<any>>) dst(%dma_wait3A_564 : memref<1x2048xf32, #tpu.memory_space<vmem>>)
    %get3A_568 = arith.constant 10 : index
    %get3A_569 = memref.load %arg0[%get3A_568] : memref<16xi32, #tpu.memory_space<smem>>
    %eq3A_570 = vector.broadcast %get3A_569 : i32 to vector<1x2048xi32>
    %eq3A_571 = arith.cmpi eq, %iota3A, %eq3A_570 : vector<1x2048xi32>
    %get3A_572 = arith.constant 10 : index
    %get3A_573 = memref.load %arg2[%get3A_572] : memref<16xf32, #tpu.memory_space<smem>>
    %get3A_574 = arith.constant 10 : index
    %get3A_575 = arith.constant 0 : index
    %get3A_576 = arith.constant 0 : index
    %get3A_577 = vector.load %arg5[%get3A_574, %get3A_575, %get3A_576] : memref<16x1x2048xf32, #tpu.memory_space<vmem>>, vector<1x1x2048xf32>
    %get3A_578 = vector.shape_cast %get3A_577 : vector<1x1x2048xf32> to vector<1x2048xf32>
    %broadcast_in_dim3A_579 = vector.broadcast %get3A_573 : f32 to vector<1x2048xf32>
    %select_n3A_580 = arith.select %eq3A_571, %broadcast_in_dim3A_579, %get3A_578 : vector<1x2048xi1>, vector<1x2048xf32>
    %swap3A_581 = arith.constant 10 : index
    %swap3A_582 = arith.constant 0 : index
    %swap3A_583 = arith.constant 0 : index
    %swap3A_584 = vector.load %arg5[%swap3A_581, %swap3A_582, %swap3A_583] : memref<16x1x2048xf32, #tpu.memory_space<vmem>>, vector<1x1x2048xf32>
    %swap3A_585 = vector.shape_cast %swap3A_584 : vector<1x1x2048xf32> to vector<1x2048xf32>
    %swap3A_586 = vector.shape_cast %select_n3A_580 : vector<1x2048xf32> to vector<1x1x2048xf32>
    tpu.vector_store %arg5[%swap3A_581, %swap3A_582, %swap3A_583], %swap3A_586 {strides = array<i32>} : memref<16x1x2048xf32, #tpu.memory_space<vmem>>, vector<1x1x2048xf32>,
    %get3A_587 = arith.constant 10 : index
    %get3A_588 = memref.load %arg1[%get3A_587] : memref<16xi32, #tpu.memory_space<smem>>
    %dma_start3A_589 = arith.constant 10 : i32
    %dma_start3A_590 = arith.constant 10 : i32
    %dma_start3A_591 = arith.constant 0 : i32
    %dma_start3A_592 = tpu.memref_slice %arg4[%dma_start3A_590, %get3A_588, %dma_start3A_591] : memref<16x2048x2048xf32, #tpu.memory_space<any>> -> memref<1x1x2048xf32, #tpu.memory_space<any>>
    %dma_start3A_593 = tpu.memref_squeeze %dma_start3A_592 : memref<1x1x2048xf32, #tpu.memory_space<any>> -> memref<1x2048xf32, #tpu.memory_space<any>>
    %dma_start3A_594 = arith.constant 0 : i32
    %dma_start3A_595 = arith.constant 0 : i32
    %dma_start3A_596 = tpu.memref_slice %arg5[%dma_start3A_589, %dma_start3A_594, %dma_start3A_595] : memref<16x1x2048xf32, #tpu.memory_space<vmem>> -> memref<1x1x2048xf32, #tpu.memory_space<vmem>>
    %dma_start3A_597 = tpu.memref_squeeze %dma_start3A_596 : memref<1x1x2048xf32, #tpu.memory_space<vmem>> -> memref<1x2048xf32, #tpu.memory_space<vmem>>
    tpu.enqueue_dma source(%dma_start3A_597 : memref<1x2048xf32, #tpu.memory_space<vmem>>) target(%dma_start3A_593 : memref<1x2048xf32, #tpu.memory_space<any>>) target_semaphore(%arg6 : memref<!tpu.dma_semaphore, #tpu.memory_space<semaphore_mem>>)
    %dma_wait3A_598 = arith.constant 11 : i32
    %dma_wait3A_599 = arith.constant 11 : i32
    %dma_wait3A_600 = arith.constant 0 : i32
    %dma_wait3A_601 = arith.constant 0 : i32
    %dma_wait3A_602 = tpu.memref_slice %arg5[%dma_wait3A_599, %dma_wait3A_600, %dma_wait3A_601] : memref<16x1x2048xf32, #tpu.memory_space<vmem>> -> memref<1x1x2048xf32, #tpu.memory_space<vmem>>
    %dma_wait3A_603 = tpu.memref_squeeze %dma_wait3A_602 : memref<1x1x2048xf32, #tpu.memory_space<vmem>> -> memref<1x2048xf32, #tpu.memory_space<vmem>>
    %dma_wait3A_604 = arith.constant 0 : i32
    %dma_wait3A_605 = tpu.memref_slice %arg4[%dma_wait3A_598, %get3A_120, %dma_wait3A_604] : memref<16x2048x2048xf32, #tpu.memory_space<any>> -> memref<1x1x2048xf32, #tpu.memory_space<any>>
    %dma_wait3A_606 = tpu.memref_squeeze %dma_wait3A_605 : memref<1x1x2048xf32, #tpu.memory_space<any>> -> memref<1x2048xf32, #tpu.memory_space<any>>
    tpu.wait_dma2 semaphore(%arg6 : memref<!tpu.dma_semaphore, #tpu.memory_space<semaphore_mem>>) src(%dma_wait3A_606 : memref<1x2048xf32, #tpu.memory_space<any>>) dst(%dma_wait3A_603 : memref<1x2048xf32, #tpu.memory_space<vmem>>)
    %get3A_607 = arith.constant 11 : index
    %get3A_608 = memref.load %arg0[%get3A_607] : memref<16xi32, #tpu.memory_space<smem>>
    %eq3A_609 = vector.broadcast %get3A_608 : i32 to vector<1x2048xi32>
    %eq3A_610 = arith.cmpi eq, %iota3A, %eq3A_609 : vector<1x2048xi32>
    %get3A_611 = arith.constant 11 : index
    %get3A_612 = memref.load %arg2[%get3A_611] : memref<16xf32, #tpu.memory_space<smem>>
    %get3A_613 = arith.constant 11 : index
    %get3A_614 = arith.constant 0 : index
    %get3A_615 = arith.constant 0 : index
    %get3A_616 = vector.load %arg5[%get3A_613, %get3A_614, %get3A_615] : memref<16x1x2048xf32, #tpu.memory_space<vmem>>, vector<1x1x2048xf32>
    %get3A_617 = vector.shape_cast %get3A_616 : vector<1x1x2048xf32> to vector<1x2048xf32>
    %broadcast_in_dim3A_618 = vector.broadcast %get3A_612 : f32 to vector<1x2048xf32>
    %select_n3A_619 = arith.select %eq3A_610, %broadcast_in_dim3A_618, %get3A_617 : vector<1x2048xi1>, vector<1x2048xf32>
    %swap3A_620 = arith.constant 11 : index
    %swap3A_621 = arith.constant 0 : index
    %swap3A_622 = arith.constant 0 : index
    %swap3A_623 = vector.load %arg5[%swap3A_620, %swap3A_621, %swap3A_622] : memref<16x1x2048xf32, #tpu.memory_space<vmem>>, vector<1x1x2048xf32>
    %swap3A_624 = vector.shape_cast %swap3A_623 : vector<1x1x2048xf32> to vector<1x2048xf32>
    %swap3A_625 = vector.shape_cast %select_n3A_619 : vector<1x2048xf32> to vector<1x1x2048xf32>
    tpu.vector_store %arg5[%swap3A_620, %swap3A_621, %swap3A_622], %swap3A_625 {strides = array<i32>} : memref<16x1x2048xf32, #tpu.memory_space<vmem>>, vector<1x1x2048xf32>,
    %get3A_626 = arith.constant 11 : index
    %get3A_627 = memref.load %arg1[%get3A_626] : memref<16xi32, #tpu.memory_space<smem>>
    %dma_start3A_628 = arith.constant 11 : i32
    %dma_start3A_629 = arith.constant 11 : i32
    %dma_start3A_630 = arith.constant 0 : i32
    %dma_start3A_631 = tpu.memref_slice %arg4[%dma_start3A_629, %get3A_627, %dma_start3A_630] : memref<16x2048x2048xf32, #tpu.memory_space<any>> -> memref<1x1x2048xf32, #tpu.memory_space<any>>
    %dma_start3A_632 = tpu.memref_squeeze %dma_start3A_631 : memref<1x1x2048xf32, #tpu.memory_space<any>> -> memref<1x2048xf32, #tpu.memory_space<any>>
    %dma_start3A_633 = arith.constant 0 : i32
    %dma_start3A_634 = arith.constant 0 : i32
    %dma_start3A_635 = tpu.memref_slice %arg5[%dma_start3A_628, %dma_start3A_633, %dma_start3A_634] : memref<16x1x2048xf32, #tpu.memory_space<vmem>> -> memref<1x1x2048xf32, #tpu.memory_space<vmem>>
    %dma_start3A_636 = tpu.memref_squeeze %dma_start3A_635 : memref<1x1x2048xf32, #tpu.memory_space<vmem>> -> memref<1x2048xf32, #tpu.memory_space<vmem>>
    tpu.enqueue_dma source(%dma_start3A_636 : memref<1x2048xf32, #tpu.memory_space<vmem>>) target(%dma_start3A_632 : memref<1x2048xf32, #tpu.memory_space<any>>) target_semaphore(%arg6 : memref<!tpu.dma_semaphore, #tpu.memory_space<semaphore_mem>>)
    %dma_wait3A_637 = arith.constant 12 : i32
    %dma_wait3A_638 = arith.constant 12 : i32
    %dma_wait3A_639 = arith.constant 0 : i32
    %dma_wait3A_640 = arith.constant 0 : i32
    %dma_wait3A_641 = tpu.memref_slice %arg5[%dma_wait3A_638, %dma_wait3A_639, %dma_wait3A_640] : memref<16x1x2048xf32, #tpu.memory_space<vmem>> -> memref<1x1x2048xf32, #tpu.memory_space<vmem>>
    %dma_wait3A_642 = tpu.memref_squeeze %dma_wait3A_641 : memref<1x1x2048xf32, #tpu.memory_space<vmem>> -> memref<1x2048xf32, #tpu.memory_space<vmem>>
    %dma_wait3A_643 = arith.constant 0 : i32
    %dma_wait3A_644 = tpu.memref_slice %arg4[%dma_wait3A_637, %get3A_131, %dma_wait3A_643] : memref<16x2048x2048xf32, #tpu.memory_space<any>> -> memref<1x1x2048xf32, #tpu.memory_space<any>>
    %dma_wait3A_645 = tpu.memref_squeeze %dma_wait3A_644 : memref<1x1x2048xf32, #tpu.memory_space<any>> -> memref<1x2048xf32, #tpu.memory_space<any>>
    tpu.wait_dma2 semaphore(%arg6 : memref<!tpu.dma_semaphore, #tpu.memory_space<semaphore_mem>>) src(%dma_wait3A_645 : memref<1x2048xf32, #tpu.memory_space<any>>) dst(%dma_wait3A_642 : memref<1x2048xf32, #tpu.memory_space<vmem>>)
    %get3A_646 = arith.constant 12 : index
    %get3A_647 = memref.load %arg0[%get3A_646] : memref<16xi32, #tpu.memory_space<smem>>
    %eq3A_648 = vector.broadcast %get3A_647 : i32 to vector<1x2048xi32>
    %eq3A_649 = arith.cmpi eq, %iota3A, %eq3A_648 : vector<1x2048xi32>
    %get3A_650 = arith.constant 12 : index
    %get3A_651 = memref.load %arg2[%get3A_650] : memref<16xf32, #tpu.memory_space<smem>>
    %get3A_652 = arith.constant 12 : index
    %get3A_653 = arith.constant 0 : index
    %get3A_654 = arith.constant 0 : index
    %get3A_655 = vector.load %arg5[%get3A_652, %get3A_653, %get3A_654] : memref<16x1x2048xf32, #tpu.memory_space<vmem>>, vector<1x1x2048xf32>
    %get3A_656 = vector.shape_cast %get3A_655 : vector<1x1x2048xf32> to vector<1x2048xf32>
    %broadcast_in_dim3A_657 = vector.broadcast %get3A_651 : f32 to vector<1x2048xf32>
    %select_n3A_658 = arith.select %eq3A_649, %broadcast_in_dim3A_657, %get3A_656 : vector<1x2048xi1>, vector<1x2048xf32>
    %swap3A_659 = arith.constant 12 : index
    %swap3A_660 = arith.constant 0 : index
    %swap3A_661 = arith.constant 0 : index
    %swap3A_662 = vector.load %arg5[%swap3A_659, %swap3A_660, %swap3A_661] : memref<16x1x2048xf32, #tpu.memory_space<vmem>>, vector<1x1x2048xf32>
    %swap3A_663 = vector.shape_cast %swap3A_662 : vector<1x1x2048xf32> to vector<1x2048xf32>
    %swap3A_664 = vector.shape_cast %select_n3A_658 : vector<1x2048xf32> to vector<1x1x2048xf32>
    tpu.vector_store %arg5[%swap3A_659, %swap3A_660, %swap3A_661], %swap3A_664 {strides = array<i32>} : memref<16x1x2048xf32, #tpu.memory_space<vmem>>, vector<1x1x2048xf32>,
    %get3A_665 = arith.constant 12 : index
    %get3A_666 = memref.load %arg1[%get3A_665] : memref<16xi32, #tpu.memory_space<smem>>
    %dma_start3A_667 = arith.constant 12 : i32
    %dma_start3A_668 = arith.constant 12 : i32
    %dma_start3A_669 = arith.constant 0 : i32
    %dma_start3A_670 = tpu.memref_slice %arg4[%dma_start3A_668, %get3A_666, %dma_start3A_669] : memref<16x2048x2048xf32, #tpu.memory_space<any>> -> memref<1x1x2048xf32, #tpu.memory_space<any>>
    %dma_start3A_671 = tpu.memref_squeeze %dma_start3A_670 : memref<1x1x2048xf32, #tpu.memory_space<any>> -> memref<1x2048xf32, #tpu.memory_space<any>>
    %dma_start3A_672 = arith.constant 0 : i32
    %dma_start3A_673 = arith.constant 0 : i32
    %dma_start3A_674 = tpu.memref_slice %arg5[%dma_start3A_667, %dma_start3A_672, %dma_start3A_673] : memref<16x1x2048xf32, #tpu.memory_space<vmem>> -> memref<1x1x2048xf32, #tpu.memory_space<vmem>>
    %dma_start3A_675 = tpu.memref_squeeze %dma_start3A_674 : memref<1x1x2048xf32, #tpu.memory_space<vmem>> -> memref<1x2048xf32, #tpu.memory_space<vmem>>
    tpu.enqueue_dma source(%dma_start3A_675 : memref<1x2048xf32, #tpu.memory_space<vmem>>) target(%dma_start3A_671 : memref<1x2048xf32, #tpu.memory_space<any>>) target_semaphore(%arg6 : memref<!tpu.dma_semaphore, #tpu.memory_space<semaphore_mem>>)
    %dma_wait3A_676 = arith.constant 13 : i32
    %dma_wait3A_677 = arith.constant 13 : i32
    %dma_wait3A_678 = arith.constant 0 : i32
    %dma_wait3A_679 = arith.constant 0 : i32
    %dma_wait3A_680 = tpu.memref_slice %arg5[%dma_wait3A_677, %dma_wait3A_678, %dma_wait3A_679] : memref<16x1x2048xf32, #tpu.memory_space<vmem>> -> memref<1x1x2048xf32, #tpu.memory_space<vmem>>
    %dma_wait3A_681 = tpu.memref_squeeze %dma_wait3A_680 : memref<1x1x2048xf32, #tpu.memory_space<vmem>> -> memref<1x2048xf32, #tpu.memory_space<vmem>>
    %dma_wait3A_682 = arith.constant 0 : i32
    %dma_wait3A_683 = tpu.memref_slice %arg4[%dma_wait3A_676, %get3A_142, %dma_wait3A_682] : memref<16x2048x2048xf32, #tpu.memory_space<any>> -> memref<1x1x2048xf32, #tpu.memory_space<any>>
    %dma_wait3A_684 = tpu.memref_squeeze %dma_wait3A_683 : memref<1x1x2048xf32, #tpu.memory_space<any>> -> memref<1x2048xf32, #tpu.memory_space<any>>
    tpu.wait_dma2 semaphore(%arg6 : memref<!tpu.dma_semaphore, #tpu.memory_space<semaphore_mem>>) src(%dma_wait3A_684 : memref<1x2048xf32, #tpu.memory_space<any>>) dst(%dma_wait3A_681 : memref<1x2048xf32, #tpu.memory_space<vmem>>)
    %get3A_685 = arith.constant 13 : index
    %get3A_686 = memref.load %arg0[%get3A_685] : memref<16xi32, #tpu.memory_space<smem>>
    %eq3A_687 = vector.broadcast %get3A_686 : i32 to vector<1x2048xi32>
    %eq3A_688 = arith.cmpi eq, %iota3A, %eq3A_687 : vector<1x2048xi32>
    %get3A_689 = arith.constant 13 : index
    %get3A_690 = memref.load %arg2[%get3A_689] : memref<16xf32, #tpu.memory_space<smem>>
    %get3A_691 = arith.constant 13 : index
    %get3A_692 = arith.constant 0 : index
    %get3A_693 = arith.constant 0 : index
    %get3A_694 = vector.load %arg5[%get3A_691, %get3A_692, %get3A_693] : memref<16x1x2048xf32, #tpu.memory_space<vmem>>, vector<1x1x2048xf32>
    %get3A_695 = vector.shape_cast %get3A_694 : vector<1x1x2048xf32> to vector<1x2048xf32>
    %broadcast_in_dim3A_696 = vector.broadcast %get3A_690 : f32 to vector<1x2048xf32>
    %select_n3A_697 = arith.select %eq3A_688, %broadcast_in_dim3A_696, %get3A_695 : vector<1x2048xi1>, vector<1x2048xf32>
    %swap3A_698 = arith.constant 13 : index
    %swap3A_699 = arith.constant 0 : index
    %swap3A_700 = arith.constant 0 : index
    %swap3A_701 = vector.load %arg5[%swap3A_698, %swap3A_699, %swap3A_700] : memref<16x1x2048xf32, #tpu.memory_space<vmem>>, vector<1x1x2048xf32>
    %swap3A_702 = vector.shape_cast %swap3A_701 : vector<1x1x2048xf32> to vector<1x2048xf32>
    %swap3A_703 = vector.shape_cast %select_n3A_697 : vector<1x2048xf32> to vector<1x1x2048xf32>
    tpu.vector_store %arg5[%swap3A_698, %swap3A_699, %swap3A_700], %swap3A_703 {strides = array<i32>} : memref<16x1x2048xf32, #tpu.memory_space<vmem>>, vector<1x1x2048xf32>,
    %get3A_704 = arith.constant 13 : index
    %get3A_705 = memref.load %arg1[%get3A_704] : memref<16xi32, #tpu.memory_space<smem>>
    %dma_start3A_706 = arith.constant 13 : i32
    %dma_start3A_707 = arith.constant 13 : i32
    %dma_start3A_708 = arith.constant 0 : i32
    %dma_start3A_709 = tpu.memref_slice %arg4[%dma_start3A_707, %get3A_705, %dma_start3A_708] : memref<16x2048x2048xf32, #tpu.memory_space<any>> -> memref<1x1x2048xf32, #tpu.memory_space<any>>
    %dma_start3A_710 = tpu.memref_squeeze %dma_start3A_709 : memref<1x1x2048xf32, #tpu.memory_space<any>> -> memref<1x2048xf32, #tpu.memory_space<any>>
    %dma_start3A_711 = arith.constant 0 : i32
    %dma_start3A_712 = arith.constant 0 : i32
    %dma_start3A_713 = tpu.memref_slice %arg5[%dma_start3A_706, %dma_start3A_711, %dma_start3A_712] : memref<16x1x2048xf32, #tpu.memory_space<vmem>> -> memref<1x1x2048xf32, #tpu.memory_space<vmem>>
    %dma_start3A_714 = tpu.memref_squeeze %dma_start3A_713 : memref<1x1x2048xf32, #tpu.memory_space<vmem>> -> memref<1x2048xf32, #tpu.memory_space<vmem>>
    tpu.enqueue_dma source(%dma_start3A_714 : memref<1x2048xf32, #tpu.memory_space<vmem>>) target(%dma_start3A_710 : memref<1x2048xf32, #tpu.memory_space<any>>) target_semaphore(%arg6 : memref<!tpu.dma_semaphore, #tpu.memory_space<semaphore_mem>>)
    %dma_wait3A_715 = arith.constant 14 : i32
    %dma_wait3A_716 = arith.constant 14 : i32
    %dma_wait3A_717 = arith.constant 0 : i32
    %dma_wait3A_718 = arith.constant 0 : i32
    %dma_wait3A_719 = tpu.memref_slice %arg5[%dma_wait3A_716, %dma_wait3A_717, %dma_wait3A_718] : memref<16x1x2048xf32, #tpu.memory_space<vmem>> -> memref<1x1x2048xf32, #tpu.memory_space<vmem>>
    %dma_wait3A_720 = tpu.memref_squeeze %dma_wait3A_719 : memref<1x1x2048xf32, #tpu.memory_space<vmem>> -> memref<1x2048xf32, #tpu.memory_space<vmem>>
    %dma_wait3A_721 = arith.constant 0 : i32
    %dma_wait3A_722 = tpu.memref_slice %arg4[%dma_wait3A_715, %get3A_153, %dma_wait3A_721] : memref<16x2048x2048xf32, #tpu.memory_space<any>> -> memref<1x1x2048xf32, #tpu.memory_space<any>>
    %dma_wait3A_723 = tpu.memref_squeeze %dma_wait3A_722 : memref<1x1x2048xf32, #tpu.memory_space<any>> -> memref<1x2048xf32, #tpu.memory_space<any>>
    tpu.wait_dma2 semaphore(%arg6 : memref<!tpu.dma_semaphore, #tpu.memory_space<semaphore_mem>>) src(%dma_wait3A_723 : memref<1x2048xf32, #tpu.memory_space<any>>) dst(%dma_wait3A_720 : memref<1x2048xf32, #tpu.memory_space<vmem>>)
    %get3A_724 = arith.constant 14 : index
    %get3A_725 = memref.load %arg0[%get3A_724] : memref<16xi32, #tpu.memory_space<smem>>
    %eq3A_726 = vector.broadcast %get3A_725 : i32 to vector<1x2048xi32>
    %eq3A_727 = arith.cmpi eq, %iota3A, %eq3A_726 : vector<1x2048xi32>
    %get3A_728 = arith.constant 14 : index
    %get3A_729 = memref.load %arg2[%get3A_728] : memref<16xf32, #tpu.memory_space<smem>>
    %get3A_730 = arith.constant 14 : index
    %get3A_731 = arith.constant 0 : index
    %get3A_732 = arith.constant 0 : index
    %get3A_733 = vector.load %arg5[%get3A_730, %get3A_731, %get3A_732] : memref<16x1x2048xf32, #tpu.memory_space<vmem>>, vector<1x1x2048xf32>
    %get3A_734 = vector.shape_cast %get3A_733 : vector<1x1x2048xf32> to vector<1x2048xf32>
    %broadcast_in_dim3A_735 = vector.broadcast %get3A_729 : f32 to vector<1x2048xf32>
    %select_n3A_736 = arith.select %eq3A_727, %broadcast_in_dim3A_735, %get3A_734 : vector<1x2048xi1>, vector<1x2048xf32>
    %swap3A_737 = arith.constant 14 : index
    %swap3A_738 = arith.constant 0 : index
    %swap3A_739 = arith.constant 0 : index
    %swap3A_740 = vector.load %arg5[%swap3A_737, %swap3A_738, %swap3A_739] : memref<16x1x2048xf32, #tpu.memory_space<vmem>>, vector<1x1x2048xf32>
    %swap3A_741 = vector.shape_cast %swap3A_740 : vector<1x1x2048xf32> to vector<1x2048xf32>
    %swap3A_742 = vector.shape_cast %select_n3A_736 : vector<1x2048xf32> to vector<1x1x2048xf32>
    tpu.vector_store %arg5[%swap3A_737, %swap3A_738, %swap3A_739], %swap3A_742 {strides = array<i32>} : memref<16x1x2048xf32, #tpu.memory_space<vmem>>, vector<1x1x2048xf32>,
    %get3A_743 = arith.constant 14 : index
    %get3A_744 = memref.load %arg1[%get3A_743] : memref<16xi32, #tpu.memory_space<smem>>
    %dma_start3A_745 = arith.constant 14 : i32
    %dma_start3A_746 = arith.constant 14 : i32
    %dma_start3A_747 = arith.constant 0 : i32
    %dma_start3A_748 = tpu.memref_slice %arg4[%dma_start3A_746, %get3A_744, %dma_start3A_747] : memref<16x2048x2048xf32, #tpu.memory_space<any>> -> memref<1x1x2048xf32, #tpu.memory_space<any>>
    %dma_start3A_749 = tpu.memref_squeeze %dma_start3A_748 : memref<1x1x2048xf32, #tpu.memory_space<any>> -> memref<1x2048xf32, #tpu.memory_space<any>>
    %dma_start3A_750 = arith.constant 0 : i32
    %dma_start3A_751 = arith.constant 0 : i32
    %dma_start3A_752 = tpu.memref_slice %arg5[%dma_start3A_745, %dma_start3A_750, %dma_start3A_751] : memref<16x1x2048xf32, #tpu.memory_space<vmem>> -> memref<1x1x2048xf32, #tpu.memory_space<vmem>>
    %dma_start3A_753 = tpu.memref_squeeze %dma_start3A_752 : memref<1x1x2048xf32, #tpu.memory_space<vmem>> -> memref<1x2048xf32, #tpu.memory_space<vmem>>
    tpu.enqueue_dma source(%dma_start3A_753 : memref<1x2048xf32, #tpu.memory_space<vmem>>) target(%dma_start3A_749 : memref<1x2048xf32, #tpu.memory_space<any>>) target_semaphore(%arg6 : memref<!tpu.dma_semaphore, #tpu.memory_space<semaphore_mem>>)
    %dma_wait3A_754 = arith.constant 15 : i32
    %dma_wait3A_755 = arith.constant 15 : i32
    %dma_wait3A_756 = arith.constant 0 : i32
    %dma_wait3A_757 = arith.constant 0 : i32
    %dma_wait3A_758 = tpu.memref_slice %arg5[%dma_wait3A_755, %dma_wait3A_756, %dma_wait3A_757] : memref<16x1x2048xf32, #tpu.memory_space<vmem>> -> memref<1x1x2048xf32, #tpu.memory_space<vmem>>
    %dma_wait3A_759 = tpu.memref_squeeze %dma_wait3A_758 : memref<1x1x2048xf32, #tpu.memory_space<vmem>> -> memref<1x2048xf32, #tpu.memory_space<vmem>>
    %dma_wait3A_760 = arith.constant 0 : i32
    %dma_wait3A_761 = tpu.memref_slice %arg4[%dma_wait3A_754, %get3A_164, %dma_wait3A_760] : memref<16x2048x2048xf32, #tpu.memory_space<any>> -> memref<1x1x2048xf32, #tpu.memory_space<any>>
    %dma_wait3A_762 = tpu.memref_squeeze %dma_wait3A_761 : memref<1x1x2048xf32, #tpu.memory_space<any>> -> memref<1x2048xf32, #tpu.memory_space<any>>
    tpu.wait_dma2 semaphore(%arg6 : memref<!tpu.dma_semaphore, #tpu.memory_space<semaphore_mem>>) src(%dma_wait3A_762 : memref<1x2048xf32, #tpu.memory_space<any>>) dst(%dma_wait3A_759 : memref<1x2048xf32, #tpu.memory_space<vmem>>)
    %get3A_763 = arith.constant 15 : index
    %get3A_764 = memref.load %arg0[%get3A_763] : memref<16xi32, #tpu.memory_space<smem>>
    %eq3A_765 = vector.broadcast %get3A_764 : i32 to vector<1x2048xi32>
    %eq3A_766 = arith.cmpi eq, %iota3A, %eq3A_765 : vector<1x2048xi32>
    %get3A_767 = arith.constant 15 : index
    %get3A_768 = memref.load %arg2[%get3A_767] : memref<16xf32, #tpu.memory_space<smem>>
    %get3A_769 = arith.constant 15 : index
    %get3A_770 = arith.constant 0 : index
    %get3A_771 = arith.constant 0 : index
    %get3A_772 = vector.load %arg5[%get3A_769, %get3A_770, %get3A_771] : memref<16x1x2048xf32, #tpu.memory_space<vmem>>, vector<1x1x2048xf32>
    %get3A_773 = vector.shape_cast %get3A_772 : vector<1x1x2048xf32> to vector<1x2048xf32>
    %broadcast_in_dim3A_774 = vector.broadcast %get3A_768 : f32 to vector<1x2048xf32>
    %select_n3A_775 = arith.select %eq3A_766, %broadcast_in_dim3A_774, %get3A_773 : vector<1x2048xi1>, vector<1x2048xf32>
    %swap3A_776 = arith.constant 15 : index
    %swap3A_777 = arith.constant 0 : index
    %swap3A_778 = arith.constant 0 : index
    %swap3A_779 = vector.load %arg5[%swap3A_776, %swap3A_777, %swap3A_778] : memref<16x1x2048xf32, #tpu.memory_space<vmem>>, vector<1x1x2048xf32>
    %swap3A_780 = vector.shape_cast %swap3A_779 : vector<1x1x2048xf32> to vector<1x2048xf32>
    %swap3A_781 = vector.shape_cast %select_n3A_775 : vector<1x2048xf32> to vector<1x1x2048xf32>
    tpu.vector_store %arg5[%swap3A_776, %swap3A_777, %swap3A_778], %swap3A_781 {strides = array<i32>} : memref<16x1x2048xf32, #tpu.memory_space<vmem>>, vector<1x1x2048xf32>,
    %get3A_782 = arith.constant 15 : index
    %get3A_783 = memref.load %arg1[%get3A_782] : memref<16xi32, #tpu.memory_space<smem>>
    %dma_start3A_784 = arith.constant 15 : i32
    %dma_start3A_785 = arith.constant 15 : i32
    %dma_start3A_786 = arith.constant 0 : i32
    %dma_start3A_787 = tpu.memref_slice %arg4[%dma_start3A_785, %get3A_783, %dma_start3A_786] : memref<16x2048x2048xf32, #tpu.memory_space<any>> -> memref<1x1x2048xf32, #tpu.memory_space<any>>
    %dma_start3A_788 = tpu.memref_squeeze %dma_start3A_787 : memref<1x1x2048xf32, #tpu.memory_space<any>> -> memref<1x2048xf32, #tpu.memory_space<any>>
    %dma_start3A_789 = arith.constant 0 : i32
    %dma_start3A_790 = arith.constant 0 : i32
    %dma_start3A_791 = tpu.memref_slice %arg5[%dma_start3A_784, %dma_start3A_789, %dma_start3A_790] : memref<16x1x2048xf32, #tpu.memory_space<vmem>> -> memref<1x1x2048xf32, #tpu.memory_space<vmem>>
    %dma_start3A_792 = tpu.memref_squeeze %dma_start3A_791 : memref<1x1x2048xf32, #tpu.memory_space<vmem>> -> memref<1x2048xf32, #tpu.memory_space<vmem>>
    tpu.enqueue_dma source(%dma_start3A_792 : memref<1x2048xf32, #tpu.memory_space<vmem>>) target(%dma_start3A_788 : memref<1x2048xf32, #tpu.memory_space<any>>) target_semaphore(%arg6 : memref<!tpu.dma_semaphore, #tpu.memory_space<semaphore_mem>>)
    %dma_wait3A_793 = arith.constant 0 : i32
    %dma_wait3A_794 = arith.constant 0 : i32
    %dma_wait3A_795 = arith.constant 0 : i32
    %dma_wait3A_796 = tpu.memref_slice %arg4[%dma_wait3A_794, %get3A_198, %dma_wait3A_795] : memref<16x2048x2048xf32, #tpu.memory_space<any>> -> memref<1x1x2048xf32, #tpu.memory_space<any>>
    %dma_wait3A_797 = tpu.memref_squeeze %dma_wait3A_796 : memref<1x1x2048xf32, #tpu.memory_space<any>> -> memref<1x2048xf32, #tpu.memory_space<any>>
    %dma_wait3A_798 = arith.constant 0 : i32
    %dma_wait3A_799 = arith.constant 0 : i32
    %dma_wait3A_800 = tpu.memref_slice %arg5[%dma_wait3A_793, %dma_wait3A_798, %dma_wait3A_799] : memref<16x1x2048xf32, #tpu.memory_space<vmem>> -> memref<1x1x2048xf32, #tpu.memory_space<vmem>>
    %dma_wait3A_801 = tpu.memref_squeeze %dma_wait3A_800 : memref<1x1x2048xf32, #tpu.memory_space<vmem>> -> memref<1x2048xf32, #tpu.memory_space<vmem>>
    tpu.wait_dma2 semaphore(%arg6 : memref<!tpu.dma_semaphore, #tpu.memory_space<semaphore_mem>>) src(%dma_wait3A_801 : memref<1x2048xf32, #tpu.memory_space<vmem>>) dst(%dma_wait3A_797 : memref<1x2048xf32, #tpu.memory_space<any>>)
    %dma_wait3A_802 = arith.constant 1 : i32
    %dma_wait3A_803 = arith.constant 1 : i32
    %dma_wait3A_804 = arith.constant 0 : i32
    %dma_wait3A_805 = tpu.memref_slice %arg4[%dma_wait3A_803, %get3A_237, %dma_wait3A_804] : memref<16x2048x2048xf32, #tpu.memory_space<any>> -> memref<1x1x2048xf32, #tpu.memory_space<any>>
    %dma_wait3A_806 = tpu.memref_squeeze %dma_wait3A_805 : memref<1x1x2048xf32, #tpu.memory_space<any>> -> memref<1x2048xf32, #tpu.memory_space<any>>
    %dma_wait3A_807 = arith.constant 0 : i32
    %dma_wait3A_808 = arith.constant 0 : i32
    %dma_wait3A_809 = tpu.memref_slice %arg5[%dma_wait3A_802, %dma_wait3A_807, %dma_wait3A_808] : memref<16x1x2048xf32, #tpu.memory_space<vmem>> -> memref<1x1x2048xf32, #tpu.memory_space<vmem>>
    %dma_wait3A_810 = tpu.memref_squeeze %dma_wait3A_809 : memref<1x1x2048xf32, #tpu.memory_space<vmem>> -> memref<1x2048xf32, #tpu.memory_space<vmem>>
    tpu.wait_dma2 semaphore(%arg6 : memref<!tpu.dma_semaphore, #tpu.memory_space<semaphore_mem>>) src(%dma_wait3A_810 : memref<1x2048xf32, #tpu.memory_space<vmem>>) dst(%dma_wait3A_806 : memref<1x2048xf32, #tpu.memory_space<any>>)
    %dma_wait3A_811 = arith.constant 2 : i32
    %dma_wait3A_812 = arith.constant 2 : i32
    %dma_wait3A_813 = arith.constant 0 : i32
    %dma_wait3A_814 = tpu.memref_slice %arg4[%dma_wait3A_812, %get3A_276, %dma_wait3A_813] : memref<16x2048x2048xf32, #tpu.memory_space<any>> -> memref<1x1x2048xf32, #tpu.memory_space<any>>
    %dma_wait3A_815 = tpu.memref_squeeze %dma_wait3A_814 : memref<1x1x2048xf32, #tpu.memory_space<any>> -> memref<1x2048xf32, #tpu.memory_space<any>>
    %dma_wait3A_816 = arith.constant 0 : i32
    %dma_wait3A_817 = arith.constant 0 : i32
    %dma_wait3A_818 = tpu.memref_slice %arg5[%dma_wait3A_811, %dma_wait3A_816, %dma_wait3A_817] : memref<16x1x2048xf32, #tpu.memory_space<vmem>> -> memref<1x1x2048xf32, #tpu.memory_space<vmem>>
    %dma_wait3A_819 = tpu.memref_squeeze %dma_wait3A_818 : memref<1x1x2048xf32, #tpu.memory_space<vmem>> -> memref<1x2048xf32, #tpu.memory_space<vmem>>
    tpu.wait_dma2 semaphore(%arg6 : memref<!tpu.dma_semaphore, #tpu.memory_space<semaphore_mem>>) src(%dma_wait3A_819 : memref<1x2048xf32, #tpu.memory_space<vmem>>) dst(%dma_wait3A_815 : memref<1x2048xf32, #tpu.memory_space<any>>)
    %dma_wait3A_820 = arith.constant 3 : i32
    %dma_wait3A_821 = arith.constant 3 : i32
    %dma_wait3A_822 = arith.constant 0 : i32
    %dma_wait3A_823 = tpu.memref_slice %arg4[%dma_wait3A_821, %get3A_315, %dma_wait3A_822] : memref<16x2048x2048xf32, #tpu.memory_space<any>> -> memref<1x1x2048xf32, #tpu.memory_space<any>>
    %dma_wait3A_824 = tpu.memref_squeeze %dma_wait3A_823 : memref<1x1x2048xf32, #tpu.memory_space<any>> -> memref<1x2048xf32, #tpu.memory_space<any>>
    %dma_wait3A_825 = arith.constant 0 : i32
    %dma_wait3A_826 = arith.constant 0 : i32
    %dma_wait3A_827 = tpu.memref_slice %arg5[%dma_wait3A_820, %dma_wait3A_825, %dma_wait3A_826] : memref<16x1x2048xf32, #tpu.memory_space<vmem>> -> memref<1x1x2048xf32, #tpu.memory_space<vmem>>
    %dma_wait3A_828 = tpu.memref_squeeze %dma_wait3A_827 : memref<1x1x2048xf32, #tpu.memory_space<vmem>> -> memref<1x2048xf32, #tpu.memory_space<vmem>>
    tpu.wait_dma2 semaphore(%arg6 : memref<!tpu.dma_semaphore, #tpu.memory_space<semaphore_mem>>) src(%dma_wait3A_828 : memref<1x2048xf32, #tpu.memory_space<vmem>>) dst(%dma_wait3A_824 : memref<1x2048xf32, #tpu.memory_space<any>>)
    %dma_wait3A_829 = arith.constant 4 : i32
    %dma_wait3A_830 = arith.constant 4 : i32
    %dma_wait3A_831 = arith.constant 0 : i32
    %dma_wait3A_832 = tpu.memref_slice %arg4[%dma_wait3A_830, %get3A_354, %dma_wait3A_831] : memref<16x2048x2048xf32, #tpu.memory_space<any>> -> memref<1x1x2048xf32, #tpu.memory_space<any>>
    %dma_wait3A_833 = tpu.memref_squeeze %dma_wait3A_832 : memref<1x1x2048xf32, #tpu.memory_space<any>> -> memref<1x2048xf32, #tpu.memory_space<any>>
    %dma_wait3A_834 = arith.constant 0 : i32
    %dma_wait3A_835 = arith.constant 0 : i32
    %dma_wait3A_836 = tpu.memref_slice %arg5[%dma_wait3A_829, %dma_wait3A_834, %dma_wait3A_835] : memref<16x1x2048xf32, #tpu.memory_space<vmem>> -> memref<1x1x2048xf32, #tpu.memory_space<vmem>>
    %dma_wait3A_837 = tpu.memref_squeeze %dma_wait3A_836 : memref<1x1x2048xf32, #tpu.memory_space<vmem>> -> memref<1x2048xf32, #tpu.memory_space<vmem>>
    tpu.wait_dma2 semaphore(%arg6 : memref<!tpu.dma_semaphore, #tpu.memory_space<semaphore_mem>>) src(%dma_wait3A_837 : memref<1x2048xf32, #tpu.memory_space<vmem>>) dst(%dma_wait3A_833 : memref<1x2048xf32, #tpu.memory_space<any>>)
    %dma_wait3A_838 = arith.constant 5 : i32
    %dma_wait3A_839 = arith.constant 5 : i32
    %dma_wait3A_840 = arith.constant 0 : i32
    %dma_wait3A_841 = tpu.memref_slice %arg4[%dma_wait3A_839, %get3A_393, %dma_wait3A_840] : memref<16x2048x2048xf32, #tpu.memory_space<any>> -> memref<1x1x2048xf32, #tpu.memory_space<any>>
    %dma_wait3A_842 = tpu.memref_squeeze %dma_wait3A_841 : memref<1x1x2048xf32, #tpu.memory_space<any>> -> memref<1x2048xf32, #tpu.memory_space<any>>
    %dma_wait3A_843 = arith.constant 0 : i32
    %dma_wait3A_844 = arith.constant 0 : i32
    %dma_wait3A_845 = tpu.memref_slice %arg5[%dma_wait3A_838, %dma_wait3A_843, %dma_wait3A_844] : memref<16x1x2048xf32, #tpu.memory_space<vmem>> -> memref<1x1x2048xf32, #tpu.memory_space<vmem>>
    %dma_wait3A_846 = tpu.memref_squeeze %dma_wait3A_845 : memref<1x1x2048xf32, #tpu.memory_space<vmem>> -> memref<1x2048xf32, #tpu.memory_space<vmem>>
    tpu.wait_dma2 semaphore(%arg6 : memref<!tpu.dma_semaphore, #tpu.memory_space<semaphore_mem>>) src(%dma_wait3A_846 : memref<1x2048xf32, #tpu.memory_space<vmem>>) dst(%dma_wait3A_842 : memref<1x2048xf32, #tpu.memory_space<any>>)
    %dma_wait3A_847 = arith.constant 6 : i32
    %dma_wait3A_848 = arith.constant 6 : i32
    %dma_wait3A_849 = arith.constant 0 : i32
    %dma_wait3A_850 = tpu.memref_slice %arg4[%dma_wait3A_848, %get3A_432, %dma_wait3A_849] : memref<16x2048x2048xf32, #tpu.memory_space<any>> -> memref<1x1x2048xf32, #tpu.memory_space<any>>
    %dma_wait3A_851 = tpu.memref_squeeze %dma_wait3A_850 : memref<1x1x2048xf32, #tpu.memory_space<any>> -> memref<1x2048xf32, #tpu.memory_space<any>>
    %dma_wait3A_852 = arith.constant 0 : i32
    %dma_wait3A_853 = arith.constant 0 : i32
    %dma_wait3A_854 = tpu.memref_slice %arg5[%dma_wait3A_847, %dma_wait3A_852, %dma_wait3A_853] : memref<16x1x2048xf32, #tpu.memory_space<vmem>> -> memref<1x1x2048xf32, #tpu.memory_space<vmem>>
    %dma_wait3A_855 = tpu.memref_squeeze %dma_wait3A_854 : memref<1x1x2048xf32, #tpu.memory_space<vmem>> -> memref<1x2048xf32, #tpu.memory_space<vmem>>
    tpu.wait_dma2 semaphore(%arg6 : memref<!tpu.dma_semaphore, #tpu.memory_space<semaphore_mem>>) src(%dma_wait3A_855 : memref<1x2048xf32, #tpu.memory_space<vmem>>) dst(%dma_wait3A_851 : memref<1x2048xf32, #tpu.memory_space<any>>)
    %dma_wait3A_856 = arith.constant 7 : i32
    %dma_wait3A_857 = arith.constant 7 : i32
    %dma_wait3A_858 = arith.constant 0 : i32
    %dma_wait3A_859 = tpu.memref_slice %arg4[%dma_wait3A_857, %get3A_471, %dma_wait3A_858] : memref<16x2048x2048xf32, #tpu.memory_space<any>> -> memref<1x1x2048xf32, #tpu.memory_space<any>>
    %dma_wait3A_860 = tpu.memref_squeeze %dma_wait3A_859 : memref<1x1x2048xf32, #tpu.memory_space<any>> -> memref<1x2048xf32, #tpu.memory_space<any>>
    %dma_wait3A_861 = arith.constant 0 : i32
    %dma_wait3A_862 = arith.constant 0 : i32
    %dma_wait3A_863 = tpu.memref_slice %arg5[%dma_wait3A_856, %dma_wait3A_861, %dma_wait3A_862] : memref<16x1x2048xf32, #tpu.memory_space<vmem>> -> memref<1x1x2048xf32, #tpu.memory_space<vmem>>
    %dma_wait3A_864 = tpu.memref_squeeze %dma_wait3A_863 : memref<1x1x2048xf32, #tpu.memory_space<vmem>> -> memref<1x2048xf32, #tpu.memory_space<vmem>>
    tpu.wait_dma2 semaphore(%arg6 : memref<!tpu.dma_semaphore, #tpu.memory_space<semaphore_mem>>) src(%dma_wait3A_864 : memref<1x2048xf32, #tpu.memory_space<vmem>>) dst(%dma_wait3A_860 : memref<1x2048xf32, #tpu.memory_space<any>>)
    %dma_wait3A_865 = arith.constant 8 : i32
    %dma_wait3A_866 = arith.constant 8 : i32
    %dma_wait3A_867 = arith.constant 0 : i32
    %dma_wait3A_868 = tpu.memref_slice %arg4[%dma_wait3A_866, %get3A_510, %dma_wait3A_867] : memref<16x2048x2048xf32, #tpu.memory_space<any>> -> memref<1x1x2048xf32, #tpu.memory_space<any>>
    %dma_wait3A_869 = tpu.memref_squeeze %dma_wait3A_868 : memref<1x1x2048xf32, #tpu.memory_space<any>> -> memref<1x2048xf32, #tpu.memory_space<any>>
    %dma_wait3A_870 = arith.constant 0 : i32
    %dma_wait3A_871 = arith.constant 0 : i32
    %dma_wait3A_872 = tpu.memref_slice %arg5[%dma_wait3A_865, %dma_wait3A_870, %dma_wait3A_871] : memref<16x1x2048xf32, #tpu.memory_space<vmem>> -> memref<1x1x2048xf32, #tpu.memory_space<vmem>>
    %dma_wait3A_873 = tpu.memref_squeeze %dma_wait3A_872 : memref<1x1x2048xf32, #tpu.memory_space<vmem>> -> memref<1x2048xf32, #tpu.memory_space<vmem>>
    tpu.wait_dma2 semaphore(%arg6 : memref<!tpu.dma_semaphore, #tpu.memory_space<semaphore_mem>>) src(%dma_wait3A_873 : memref<1x2048xf32, #tpu.memory_space<vmem>>) dst(%dma_wait3A_869 : memref<1x2048xf32, #tpu.memory_space<any>>)
    %dma_wait3A_874 = arith.constant 9 : i32
    %dma_wait3A_875 = arith.constant 9 : i32
    %dma_wait3A_876 = arith.constant 0 : i32
    %dma_wait3A_877 = tpu.memref_slice %arg4[%dma_wait3A_875, %get3A_549, %dma_wait3A_876] : memref<16x2048x2048xf32, #tpu.memory_space<any>> -> memref<1x1x2048xf32, #tpu.memory_space<any>>
    %dma_wait3A_878 = tpu.memref_squeeze %dma_wait3A_877 : memref<1x1x2048xf32, #tpu.memory_space<any>> -> memref<1x2048xf32, #tpu.memory_space<any>>
    %dma_wait3A_879 = arith.constant 0 : i32
    %dma_wait3A_880 = arith.constant 0 : i32
    %dma_wait3A_881 = tpu.memref_slice %arg5[%dma_wait3A_874, %dma_wait3A_879, %dma_wait3A_880] : memref<16x1x2048xf32, #tpu.memory_space<vmem>> -> memref<1x1x2048xf32, #tpu.memory_space<vmem>>
    %dma_wait3A_882 = tpu.memref_squeeze %dma_wait3A_881 : memref<1x1x2048xf32, #tpu.memory_space<vmem>> -> memref<1x2048xf32, #tpu.memory_space<vmem>>
    tpu.wait_dma2 semaphore(%arg6 : memref<!tpu.dma_semaphore, #tpu.memory_space<semaphore_mem>>) src(%dma_wait3A_882 : memref<1x2048xf32, #tpu.memory_space<vmem>>) dst(%dma_wait3A_878 : memref<1x2048xf32, #tpu.memory_space<any>>)
    %dma_wait3A_883 = arith.constant 10 : i32
    %dma_wait3A_884 = arith.constant 10 : i32
    %dma_wait3A_885 = arith.constant 0 : i32
    %dma_wait3A_886 = tpu.memref_slice %arg4[%dma_wait3A_884, %get3A_588, %dma_wait3A_885] : memref<16x2048x2048xf32, #tpu.memory_space<any>> -> memref<1x1x2048xf32, #tpu.memory_space<any>>
    %dma_wait3A_887 = tpu.memref_squeeze %dma_wait3A_886 : memref<1x1x2048xf32, #tpu.memory_space<any>> -> memref<1x2048xf32, #tpu.memory_space<any>>
    %dma_wait3A_888 = arith.constant 0 : i32
    %dma_wait3A_889 = arith.constant 0 : i32
    %dma_wait3A_890 = tpu.memref_slice %arg5[%dma_wait3A_883, %dma_wait3A_888, %dma_wait3A_889] : memref<16x1x2048xf32, #tpu.memory_space<vmem>> -> memref<1x1x2048xf32, #tpu.memory_space<vmem>>
    %dma_wait3A_891 = tpu.memref_squeeze %dma_wait3A_890 : memref<1x1x2048xf32, #tpu.memory_space<vmem>> -> memref<1x2048xf32, #tpu.memory_space<vmem>>
    tpu.wait_dma2 semaphore(%arg6 : memref<!tpu.dma_semaphore, #tpu.memory_space<semaphore_mem>>) src(%dma_wait3A_891 : memref<1x2048xf32, #tpu.memory_space<vmem>>) dst(%dma_wait3A_887 : memref<1x2048xf32, #tpu.memory_space<any>>)
    %dma_wait3A_892 = arith.constant 11 : i32
    %dma_wait3A_893 = arith.constant 11 : i32
    %dma_wait3A_894 = arith.constant 0 : i32
    %dma_wait3A_895 = tpu.memref_slice %arg4[%dma_wait3A_893, %get3A_627, %dma_wait3A_894] : memref<16x2048x2048xf32, #tpu.memory_space<any>> -> memref<1x1x2048xf32, #tpu.memory_space<any>>
    %dma_wait3A_896 = tpu.memref_squeeze %dma_wait3A_895 : memref<1x1x2048xf32, #tpu.memory_space<any>> -> memref<1x2048xf32, #tpu.memory_space<any>>
    %dma_wait3A_897 = arith.constant 0 : i32
    %dma_wait3A_898 = arith.constant 0 : i32
    %dma_wait3A_899 = tpu.memref_slice %arg5[%dma_wait3A_892, %dma_wait3A_897, %dma_wait3A_898] : memref<16x1x2048xf32, #tpu.memory_space<vmem>> -> memref<1x1x2048xf32, #tpu.memory_space<vmem>>
    %dma_wait3A_900 = tpu.memref_squeeze %dma_wait3A_899 : memref<1x1x2048xf32, #tpu.memory_space<vmem>> -> memref<1x2048xf32, #tpu.memory_space<vmem>>
    tpu.wait_dma2 semaphore(%arg6 : memref<!tpu.dma_semaphore, #tpu.memory_space<semaphore_mem>>) src(%dma_wait3A_900 : memref<1x2048xf32, #tpu.memory_space<vmem>>) dst(%dma_wait3A_896 : memref<1x2048xf32, #tpu.memory_space<any>>)
    %dma_wait3A_901 = arith.constant 12 : i32
    %dma_wait3A_902 = arith.constant 12 : i32
    %dma_wait3A_903 = arith.constant 0 : i32
    %dma_wait3A_904 = tpu.memref_slice %arg4[%dma_wait3A_902, %get3A_666, %dma_wait3A_903] : memref<16x2048x2048xf32, #tpu.memory_space<any>> -> memref<1x1x2048xf32, #tpu.memory_space<any>>
    %dma_wait3A_905 = tpu.memref_squeeze %dma_wait3A_904 : memref<1x1x2048xf32, #tpu.memory_space<any>> -> memref<1x2048xf32, #tpu.memory_space<any>>
    %dma_wait3A_906 = arith.constant 0 : i32
    %dma_wait3A_907 = arith.constant 0 : i32
    %dma_wait3A_908 = tpu.memref_slice %arg5[%dma_wait3A_901, %dma_wait3A_906, %dma_wait3A_907] : memref<16x1x2048xf32, #tpu.memory_space<vmem>> -> memref<1x1x2048xf32, #tpu.memory_space<vmem>>
    %dma_wait3A_909 = tpu.memref_squeeze %dma_wait3A_908 : memref<1x1x2048xf32, #tpu.memory_space<vmem>> -> memref<1x2048xf32, #tpu.memory_space<vmem>>
    tpu.wait_dma2 semaphore(%arg6 : memref<!tpu.dma_semaphore, #tpu.memory_space<semaphore_mem>>) src(%dma_wait3A_909 : memref<1x2048xf32, #tpu.memory_space<vmem>>) dst(%dma_wait3A_905 : memref<1x2048xf32, #tpu.memory_space<any>>)
    %dma_wait3A_910 = arith.constant 13 : i32
    %dma_wait3A_911 = arith.constant 13 : i32
    %dma_wait3A_912 = arith.constant 0 : i32
    %dma_wait3A_913 = tpu.memref_slice %arg4[%dma_wait3A_911, %get3A_705, %dma_wait3A_912] : memref<16x2048x2048xf32, #tpu.memory_space<any>> -> memref<1x1x2048xf32, #tpu.memory_space<any>>
    %dma_wait3A_914 = tpu.memref_squeeze %dma_wait3A_913 : memref<1x1x2048xf32, #tpu.memory_space<any>> -> memref<1x2048xf32, #tpu.memory_space<any>>
    %dma_wait3A_915 = arith.constant 0 : i32
    %dma_wait3A_916 = arith.constant 0 : i32
    %dma_wait3A_917 = tpu.memref_slice %arg5[%dma_wait3A_910, %dma_wait3A_915, %dma_wait3A_916] : memref<16x1x2048xf32, #tpu.memory_space<vmem>> -> memref<1x1x2048xf32, #tpu.memory_space<vmem>>
    %dma_wait3A_918 = tpu.memref_squeeze %dma_wait3A_917 : memref<1x1x2048xf32, #tpu.memory_space<vmem>> -> memref<1x2048xf32, #tpu.memory_space<vmem>>
    tpu.wait_dma2 semaphore(%arg6 : memref<!tpu.dma_semaphore, #tpu.memory_space<semaphore_mem>>) src(%dma_wait3A_918 : memref<1x2048xf32, #tpu.memory_space<vmem>>) dst(%dma_wait3A_914 : memref<1x2048xf32, #tpu.memory_space<any>>)
    %dma_wait3A_919 = arith.constant 14 : i32
    %dma_wait3A_920 = arith.constant 14 : i32
    %dma_wait3A_921 = arith.constant 0 : i32
    %dma_wait3A_922 = tpu.memref_slice %arg4[%dma_wait3A_920, %get3A_744, %dma_wait3A_921] : memref<16x2048x2048xf32, #tpu.memory_space<any>> -> memref<1x1x2048xf32, #tpu.memory_space<any>>
    %dma_wait3A_923 = tpu.memref_squeeze %dma_wait3A_922 : memref<1x1x2048xf32, #tpu.memory_space<any>> -> memref<1x2048xf32, #tpu.memory_space<any>>
    %dma_wait3A_924 = arith.constant 0 : i32
    %dma_wait3A_925 = arith.constant 0 : i32
    %dma_wait3A_926 = tpu.memref_slice %arg5[%dma_wait3A_919, %dma_wait3A_924, %dma_wait3A_925] : memref<16x1x2048xf32, #tpu.memory_space<vmem>> -> memref<1x1x2048xf32, #tpu.memory_space<vmem>>
    %dma_wait3A_927 = tpu.memref_squeeze %dma_wait3A_926 : memref<1x1x2048xf32, #tpu.memory_space<vmem>> -> memref<1x2048xf32, #tpu.memory_space<vmem>>
    tpu.wait_dma2 semaphore(%arg6 : memref<!tpu.dma_semaphore, #tpu.memory_space<semaphore_mem>>) src(%dma_wait3A_927 : memref<1x2048xf32, #tpu.memory_space<vmem>>) dst(%dma_wait3A_923 : memref<1x2048xf32, #tpu.memory_space<any>>)
    %dma_wait3A_928 = arith.constant 15 : i32
    %dma_wait3A_929 = arith.constant 15 : i32
    %dma_wait3A_930 = arith.constant 0 : i32
    %dma_wait3A_931 = tpu.memref_slice %arg4[%dma_wait3A_929, %get3A_783, %dma_wait3A_930] : memref<16x2048x2048xf32, #tpu.memory_space<any>> -> memref<1x1x2048xf32, #tpu.memory_space<any>>
    %dma_wait3A_932 = tpu.memref_squeeze %dma_wait3A_931 : memref<1x1x2048xf32, #tpu.memory_space<any>> -> memref<1x2048xf32, #tpu.memory_space<any>>
    %dma_wait3A_933 = arith.constant 0 : i32
    %dma_wait3A_934 = arith.constant 0 : i32
    %dma_wait3A_935 = tpu.memref_slice %arg5[%dma_wait3A_928, %dma_wait3A_933, %dma_wait3A_934] : memref<16x1x2048xf32, #tpu.memory_space<vmem>> -> memref<1x1x2048xf32, #tpu.memory_space<vmem>>
    %dma_wait3A_936 = tpu.memref_squeeze %dma_wait3A_935 : memref<1x1x2048xf32, #tpu.memory_space<vmem>> -> memref<1x2048xf32, #tpu.memory_space<vmem>>
    tpu.wait_dma2 semaphore(%arg6 : memref<!tpu.dma_semaphore, #tpu.memory_space<semaphore_mem>>) src(%dma_wait3A_936 : memref<1x2048xf32, #tpu.memory_space<vmem>>) dst(%dma_wait3A_932 : memref<1x2048xf32, #tpu.memory_space<any>>)
    return
  }
}

</mosaic_0001>

<sc_bundles>
// kernel: kernel.5.cloned.1.call-start
scs
__scs_entry_jumppad:
0x0: {  	(pc) =	sbr.rel $0x88, $3  }
0x1: {  	(tag) =	ssettag $0x0;
	lr =	simm.s32 $0x1  }
0x2: {  	[smem:$0x3F9D] =	sst lr;
	_ =	strace $0xD0000000  }
0x3: {  	_ = 	snop  }
0x4: {  	_ = 	snop  }
0x5: {  	_ = 	snop  }
0x6: {  	_ = 	snop  }
0x7: {  	_ = 	snop  }
__scs_overlays_trampoline_lowered:
0x8: {  	[smem:$0x3FAC] =	sst s0  }
0x9: {  	[smem:$0x3FAD] =	sst s1  }
0xa: {  	[smem:$0x3FAE] =	sst s2  }
0xb: {  	[smem:$0x3FAF] =	sst s3  }
0xc: {  	[smem:$0x3FB0] =	sst s4  }
0xd: {  	[smem:$0x3FB1] =	sst s5  }
0xe: {  	[smem:$0x3FB2] =	sst s6  }
0xf: {  	[smem:$0x3FB3] =	sst s7  }
0x10: {  	[smem:$0x3FB4] =	sst s8  }
0x11: {  	[smem:$0x3FB5] =	sst s9;
	s0 =	simm.s32 @!p0 $0x0  }
0x12: {  	s1 =	sld [smem:$0x3F9B];
	s0 =	simm.s32 @p0 $0x1  }
0x13: {  	[smem:$0x3FB6] =	sst s0;
	s0 =	simm.s32 @!p1 $0x0  }
0x14: {  	s2 =	sld [smem:$0x3F9A];
	s0 =	simm.s32 @p1 $0x1  }
0x15: {  	[smem:$0x3FB7] =	sst s0;
	s0 =	simm.s32 @!p2 $0x0  }
0x16: {  	s3 =	sld [smem:$0x3FDB];
	s0 =	simm.s32 @p2 $0x1  }
0x17: {  	s4 =	simm.s32 $0x1BF5;
	[smem:$0x3FB9] =	sst s0  }
0x18: {  	s0 =	sld [smem:$0x3F9C];
	_ =	swait.ge [sflag:s4], $0x0  }
0x19: {  	s7 =	sld [smem:$0x3F9D]  }
0x1a: {  	s8 =	sadd.s32 $0xFFFFE003, lr  }
0x1b: {  	s9 =	sadd.s32 $0xFFFFFEF7, lr;
	s5 =	simm.s32 $0xFFFFFFFF;
	p2 =	slt.u32 s8, $0xFFFFF086  }
0x1c: {  	p1 =	slt.u32 s9, $0xF7A;
	s5 =	simm.s32 @!p2 $0x0  }
0x1d: {  	s5 =	simm.s32 @p1 $0x1;
	p0 =	seq.s32 s7, s2  }
0x1e: {  	s7 =	smul.u32 @!p0 $0xF7A, s2;
	p2 =	seq.s32 @!p0 s5, $0x0  }
0x1f: {  	s9 =	smul.u32 $0xF7A, s1;
	s8 =	simm.s32 @!p0 $0x1BF5;
	p2 =	por !p2, p0  }
0x20: {  	[sflag:s8] =	ssyncset.s32 @!p0 $0xFFFFF086;
	s6 =	sadd.s32 @!p0 s3, s7;
	s7 =	simm.s32 @!p0 $0x108  }
0x21: {  	s3 =	sadd.s32 s3, s9;
	s6 =	sadd.s32 @!p0 $0x88, s6;
	s7 =	simm.s32 @p2 $0x1082  }
0x22: {  	[simem:s7], [sflag:s8] =	dma.local @!p0 [hbm:s6], $0xF7A  }
0x23: {  	s9 =	sor.u32 $0xD0000000, s2;
	s6 =	simm.s32 $0x108;
	_ =	swait.ge @!p0 [sflag:s8], $0x0  }
0x24: {  	s3 =	sadd.s32 $0x88, s3;
	s6 =	simm.s32 @!p1 $0x1082;
	[sflag:s4] =	ssyncset.s32 $0xFFFFF086  }
0x25: {  	[simem:s6], [sflag:s4] =	dma.local [hbm:s3], $0xF7A  }
0x26: {  	[smem:$0x3F9D] =	sst s1;
	(tag) =	ssettag s2;
	_ =	strace s9  }
0x27: {  	s1 =	sld [smem:$0x3FAD]  }
0x28: {  	s2 =	sld [smem:$0x3FAE]  }
0x29: {  	s4 =	sld [smem:$0x3FB0]  }
0x2a: {  	p0 =	seq.s32 s5, $0x0;
	s5 =	sld [smem:$0x3FB1]  }
0x2b: {  	s6 =	sld [smem:$0x3FB2]  }
0x2c: {  	s7 =	sld [smem:$0x3FB3]  }
0x2d: {  	s3 =	simm.s32 $0x108;
	s8 =	sld [smem:$0x3FB4]  }
0x2e: {  	s3 =	simm.s32 @!p0 $0x1082;
	s9 =	sld [smem:$0x3FB5]  }
0x2f: {  	lr =	sadd.s32 s0, s3;
	s0 =	sld [smem:$0x3FAC]  }
0x30: {  	s3 =	sld [smem:$0x3FAF]  }
0x31: {  	[smem:$0x3FB8] =	sst s10  }
0x32: {  	s10 =	sld [smem:$0x3FB6];
	_ =	sdelay $0x3  }
0x33: {  	p0 =	seq.s32 s10, $0x1;
	s10 =	sld [smem:$0x3FB8];
	_ =	sdelay $0x3  }
0x34: {  	[smem:$0x3FB8] =	sst s10  }
0x35: {  	s10 =	sld [smem:$0x3FB7];
	_ =	sdelay $0x3  }
0x36: {  	p1 =	seq.s32 s10, $0x1;
	s10 =	sld [smem:$0x3FB8];
	_ =	sdelay $0x3  }
0x37: {  	[smem:$0x3FB8] =	sst s10  }
0x38: {  	s10 =	sld [smem:$0x3FB9]  }
0x39: {  	_ = 	snop;
	(pc) =	sbr.ind lr, $3  }
0x3a: {  	_ = 	snop  }
0x3b: {  	_ = 	snop  }
0x3c: {  	p2 =	seq.s32 s10, $0x1;
	s10 =	sld [smem:$0x3FB8]  }
0x3d: {  	_ =	shalt  }
0x3e: {  	_ =	shalt  }
0x3f: {  	_ =	shalt  }
0x40: {  	_ =	shalt  }
0x41: {  	_ =	shalt  }
0x42: {  	_ =	shalt  }
0x43: {  	_ =	shalt  }
0x44: {  	_ =	shalt  }
0x45: {  	_ =	shalt  }
0x46: {  	_ =	shalt  }
0x47: {  	_ =	shalt  }
0x48: {  	_ =	shalt  }
0x49: {  	_ =	shalt  }
0x4a: {  	_ =	shalt  }
0x4b: {  	_ =	shalt  }
0x4c: {  	_ =	shalt  }
0x4d: {  	_ =	shalt  }
0x4e: {  	_ =	shalt  }
0x4f: {  	_ =	shalt  }
0x50: {  	_ =	shalt  }
0x51: {  	_ =	shalt  }
0x52: {  	_ =	shalt  }
0x53: {  	_ =	shalt  }
0x54: {  	_ =	shalt  }
0x55: {  	_ =	shalt  }
0x56: {  	_ =	shalt  }
0x57: {  	_ =	shalt  }
0x58: {  	_ =	shalt  }
0x59: {  	_ =	shalt  }
0x5a: {  	_ =	shalt  }
0x5b: {  	_ =	shalt  }
0x5c: {  	_ =	shalt  }
0x5d: {  	_ =	shalt  }
0x5e: {  	_ =	shalt  }
0x5f: {  	_ =	shalt  }
0x60: {  	_ =	shalt  }
0x61: {  	_ =	shalt  }
0x62: {  	_ =	shalt  }
0x63: {  	_ =	shalt  }
0x64: {  	_ =	shalt  }
0x65: {  	_ =	shalt  }
0x66: {  	_ =	shalt  }
0x67: {  	_ =	shalt  }
0x68: {  	_ =	shalt  }
0x69: {  	_ =	shalt  }
0x6a: {  	_ =	shalt  }
0x6b: {  	_ =	shalt  }
0x6c: {  	_ =	shalt  }
0x6d: {  	_ =	shalt  }
0x6e: {  	_ =	shalt  }
0x6f: {  	_ =	shalt  }
0x70: {  	_ =	shalt  }
0x71: {  	_ =	shalt  }
0x72: {  	_ =	shalt  }
0x73: {  	_ =	shalt  }
0x74: {  	_ =	shalt  }
0x75: {  	_ =	shalt  }
0x76: {  	_ =	shalt  }
0x77: {  	_ =	shalt  }
0x78: {  	_ =	shalt  }
0x79: {  	_ =	shalt  }
0x7a: {  	_ =	shalt  }
0x7b: {  	_ =	shalt  }
0x7c: {  	_ =	shalt  }
0x7d: {  	_ =	shalt  }
0x7e: {  	_ =	shalt  }
0x7f: {  	_ =	shalt  }
0x80: {  	_ =	shalt  }
0x81: {  	_ =	shalt  }
0x82: {  	_ =	shalt  }
0x83: {  	_ =	shalt  }
0x84: {  	_ =	shalt  }
0x85: {  	_ =	shalt  }
0x86: {  	_ =	shalt  }
0x87: {  	_ =	shalt  }
.Lfunc_end0:
.L_simem_size_0:
called_computation_lowered:
.L_overlay_start_0:
0x88: {  	s2 =	sld [smem:$0x3FD9]  }
0x89: {  	s3 =	sld [smem:$0x3FFE];
	_ =	sdelay $0x1  }
0x8a: {  	s1 =	srdreg.scid  }
0x8b: {  	s0 =	sand.u32 $0x1, s1  }
0x8c: {  	s17 =	sshll.u32 s0, $0xA;
	s2 =	sadd.s32 s3, s2  }
0x8d: {  	s2 =	sadd.s32 s2, s17  }
0x8e: {  	[smem:$0x3FC4] =	sst s2  }
0x8f: {  	_ = 	snop  }
0x90: {  	s2 =	sld [smem:$0x3FC9]  }
0x91: {  	s18 =	sld [smem:$0x3FC7];
	(tm) =	ssettm $0x1  }
0x92: {  	s4 =	sld [smem:$0x3FFB];
	_ =	sdelay $0x3  }
0x93: {  	_ =	strace s4  }
0x94: {  	s4 =	sld [smem:$0x3FFC];
	_ =	sdelay $0x3  }
0x95: {  	_ =	strace s4  }
0x96: {  	s4 =	sld [smem:$0x3FFD];
	_ =	sdelay $0x3  }
0x97: {  	_ =	strace s4  }
0x98: {  	_ =	strace $0x8FFFFFFF  }
0x99: {  	s19 =	sld [smem:$0x3FDB];
	_ =	sdelay $0x1  }
0x9a: {  	s5 =	simm.s32 $_scs_section_size  }
0x9b: {  	s6 =	simm.s32 $_size__tile_overlayer_lowered;
	s7 =	simm.s32 $_tile_overlayer_lowered  }
0x9c: {  	s22 =	simm.s32 $0x1BFF;
	s21 =	sshll.u32 s7, $0x1;
	s4 =	sadd.s32 s5, s19  }
0x9d: {  	s8 =	simm.s32 $0x0;
	s20 =	sshll.u32 s6, $0x1;
	s6 =	sadd.s32 s21, s4  }
0x9e: {  	[timem:s8], [sflag:s22] =	dma.local [hbm:s6], s20  }
0x9f: {  	_ =	swait.ge [sflag:s22], s20  }
0xa0: {  	s5 =	ssub.s32 $0x0, s20;
	[sflag:s22] =	ssyncset.done $0x0  }
0xa1: {  	[sflag:s22] =	ssyncadd.s32 s5;
	_ =	sdelay $0x1  }
0xa2: {  	s23 =	simm.s32 $0x1B8B  }
0xa3: {  	_ =	swait.ge [sflag:s23], $0x1  }
0xa4: {  	[sflag:s23] =	ssyncset.done $0x0  }
0xa5: {  	s25 =	simm.s32 $0x1B8E;
	s24 =	sld [smem:$0x3FFE];
	[sflag:s23] =	ssyncadd.s32 $0xFFFFFFFF  }
0xa6: {  	s26 =	simm.s32 $execute0_lowered;
	[smem:$0x3FD2] =	sst s25  }
0xa7: {  	s6 =	sshll.u32 s26, $0x1;
	_ =	strace $0x80000046;
	[dreg:$0x1] =	wrdreg $0xFFFFFFFF  }
0xa8: {  	s28 =	simm.s32 $_size_execute0_lowered;
	s4 =	sadd.s32 s4, s6;
	[dreg:$0x0] =	wrdreg $0x0  }
0xa9: {  	s6 =	sshll.u32 s28, $0x1;
	[dreg:$0x2] =	wrdreg s4  }
0xaa: {  	[dreg:$0x3] =	wrdreg s6  }
0xab: {  	[dreg:$0x4] =	wrdreg $0xC0  }
0xac: {  	_ =	task [dreg:s8], $0x5FFFF  }
0xad: {  	[dreg:$0x1] =	wrdreg $0xFFFFFFFF  }
0xae: {  	[dreg:$0x0] =	wrdreg $0x60  }
0xaf: {  	[dreg:$0x2] =	wrdreg s2  }
0xb0: {  	[dreg:$0x3] =	wrdreg s24  }
0xb1: {  	[dreg:$0x4] =	wrdreg s18  }
0xb2: {  	[dreg:$0x5] =	wrdreg $0x9  }
0xb3: {  	_ =	task.clear_ibuf [dreg:s8], $0x6FFFF;
	_ =	strace $0x90000046  }
0xb4: {  	s29 =	simm.s32 $0x9;
	_ =	strace $0x80000048  }
0xb5: {  	_ =	swait.ge [sflag:s29], $0x1  }
0xb6: {  	[sflag:s29] =	ssyncadd.s32 $0xFFFFFFFF  }
0xb7: {  	_ =	strace $0x90000048  }
0xb8: {  	_ =	sfence  }
0xb9: {  	s30 =	sld [smem:$0x0];
	_ =	sdelay $0x2  }
0xba: {  	s31 =	sshll.u32 s1, $0xD;
	s1 =	sshrl.u32 s1, $0x2  }
0xbb: {  	s3 =	sand.u32 $0x4000, s31;
	s1 =	sadd.s32 s1, s30  }
0xbc: {  	s0 =	sor.u32 s3, s0;
	s1 =	sshll.u32 s1, $0x11  }
0xbd: {  	s0 =	sor.u32 s1, s0  }
0xbe: {  	s0 =	sadd.s32 $0x8F2B, s0  }
0xbf: {  	[sflag:s0] =	ssyncadd.remote.s32 $0x1  }
0xc0: {  	_ =	sfence.sel $0xFFFF  }
0xc1: {  	[dreg:$0x0] =	wrdreg $0xFFFFFFFF;
	(pc) =	sbr.abs _section_cstart, $3  }
0xc2: {  	[dreg:$0x1] =	wrdreg $0xFFFFFFFF  }
0xc3: {  	_ =	task.clear_ibuf [dreg:s8], $0x2FFFF;
	_ =	strace $0x9FFFFFFF  }
0xc4: {  	(tm) =	ssettm $0x7FFFFFFF  }
0xc5: {  	_ =	shalt  }
tec
execute0_lowered:
.L_overlay_start_1:
0x0: {  	(tag) =	ssettag $0x1  }
0x1: {  	s1 =	srdreg.scid  }
0x2: {  	s30 =	stileid.u32;
	s3 =	sand.u32 $0x1, s1  }
0x3: {  	s31 =	sor.u32 s30, s3  }
0x4: {  	p0 =	sne.s32 s31, $0x0  }
.Ltmp0:
0x5: {  	_ = 	snop;
	(pc) =	sbr.rel @p0 .LBB2_3-.Ltmp0, $4  }
0x6: {  	s0 =	rddreg [dreg:$0x0]  }
0x7: {  	s4 =	rddreg [dreg:$0x2]  }
0x8: {  	[dreg:$0x5] =	wrdreg s4  }
0x9: {  	s2 =	rddreg [dreg:$0x1];
	_ =	strace $0x80000047  }
0xa: {  	v0 =	vimm.s32 $0x4380;
	vm0 =	vcmask $0x300  }
0xb: {  	v0 =	vsel vm0, $0x0, v0;
	vm0 =	vcmask $0x704  }
0xc: {  	v0 =	vsel vm0, $0x80, v0;
	vm0 =	vcmask $0xB08  }
0xd: {  	s4 =	sadd.s32 $0xA00, s2;
	s23 =	sadd.s32 $0xC00, s2;
	v0 =	vsel vm0, $0x100, v0;
	vm0 =	vcmask $0xF0C  }
0xe: {  	s3 =	ssub.s32 $0x2, s3;
	s24 =	sadd.s32 $0xE00, s2;
	s5 =	sadd.s32 $0x200, s0;
	v0 =	vsel vm0, $0x180, v0;
	vm0 =	vcmask $0x1310  }
0xf: {  	s6 =	sadd.s32 $0x300, s0;
	s7 =	sadd.s32 $0x400, s0;
	s8 =	sadd.s32 $0x500, s0;
	v0 =	vsel vm0, $0x200, v0;
	vm0 =	vcmask $0x1714  }
0x10: {  	s9 =	sadd.s32 $0x600, s0;
	s10 =	sadd.s32 $0x700, s0;
	s11 =	simm.s32 $0x0;
	v0 =	vsel vm0, $0x280, v0;
	vm0 =	vcmask $0x1B18  }
0x11: {  	s26 =	simm.s32 $0x80;
	s12 =	simm.s32 $0x2;
	s14 =	simm.s32 $0x100;
	v0 =	vsel vm0, $0x300, v0;
	vm0 =	vcmask $0x1F1C  }
0x12: {  	s15 =	simm.s32 $0x900;
	s16 =	simm.s32 $0x1100;
	s17 =	simm.s32 $0x1900;
	v0 =	vsel vm0, $0x380, v0;
	vm0 =	vcmask $0x2320  }
0x13: {  	s18 =	simm.s32 $0x2100;
	s19 =	simm.s32 $0x2900;
	s20 =	simm.s32 $0x3100;
	v0 =	vsel vm0, $0x4000, v0;
	vm0 =	vcmask $0x2724  }
0x14: {  	s21 =	simm.s32 $0x3900;
	s22 =	simm.s32 $0x4100;
	s28 =	simm.s32 $0x6900;
	v0 =	vsel vm0, $0x4080, v0;
	vm0 =	vcmask $0x2B28  }
0x15: {  	v2 =	vlaneseq.u32;
	s29 =	simm.s32 $0x7100;
	s30 =	simm.s32 $0x7900;
	[dreg:$0x4] =	wrdreg s4;
	v1 =	vsel vm0, $0x4100, v0;
	vm0 =	vcmask $0x2F2C  }
0x16: {  	vm1 =	vcmask $0x3B38;
	s31 =	simm.s32 $0x1;
	s2 =	simm.s32 $0x8180;
	[dreg:$0x6] =	wrdreg s23;
	v1 =	vsel vm0, $0x4180, v1;
	vm0 =	vcmask $0x3330  }
0x17: {  	s25 =	sshrl.u32 s3, $0x1;
	[dreg:$0x7] =	wrdreg s24;
	s4 =	sadd.s32 $0x100, s0;
	v3 =	vshrl.u32 v2, $0x3;
	v4 =	vsel vm0, $0x4200, v1;
	vm0 =	vcmask $0x3734  }
0x18: {  	[dreg:$0x8] =	wrdreg s26;
	s23 =	simm.s32 $0x4900;
	s24 =	simm.s32 $0x5100;
	v0 =	vand.u32 $0x7, v2;
	v1 =	vmul.u32 $0x8, v3;
	v3 =	vsel vm0, $0x4280, v4  }
0x19: {  	s26 =	simm.s32 $0x6100;
	s3 =	ssub.s32 s3, s25;
	s25 =	simm.s32 $0x5900;
	v2 =	vor.u32 $0x8, v2;
	vm0 =	vmmov $0xffff;
	v3 =	vsel vm1, $0x4300, v3  }
.LBB2_2:
0x1a: {  	s1 =	rddreg [dreg:$0x4]  }
0x1b: {  	[tilespmem:s11], [sflag:$0x2] =	stream.linear.gather [hbm4b:s1+s11], $0x80, $0x38;
	[tilespmem:$0x8200] =	vst v63  }
0x1c: {  	_ =	swait.ge [sflag:s12], $0x80  }
0x1d: {  	s1 =	rddreg [dreg:$0x5];
	[sflag:s12] =	ssyncset.done $0x0  }
0x1e: {  	s13 =	rddreg [dreg:$0x8];
	[sflag:s12] =	ssyncadd.s32 $0xFFFFFF80  }
0x1f: {  	[tilespmem:s13], [sflag:$0x2] =	stream.linear.gather [hbm4b:s1+s11], $0x80, $0x38;
	[tilespmem:$0x8200] =	vst v63  }
0x20: {  	_ =	swait.ge [sflag:s12], $0x80  }
0x21: {  	[sflag:s12] =	ssyncset.done $0x0  }
0x22: {  	s13 =	simm.s32 $0x8100;
	s1 =	rddreg [dreg:$0x6];
	[sflag:s12] =	ssyncadd.s32 $0xFFFFFF80  }
0x23: {  	[tilespmem:s13], [sflag:$0x2] =	stream.linear.gather [hbm4b:s1+s11], $0x80, $0x38;
	[tilespmem:$0x8200] =	vst v63  }
0x24: {  	_ =	swait.ge [sflag:s12], $0x80  }
0x25: {  	[sflag:s12] =	ssyncset.done $0x0  }
0x26: {  	[sflag:s12] =	ssyncadd.s32 $0xFFFFFF80  }
0x27: {  	v4 =	vld [tilespmem:$0x0];
	_ =	sdelay $0x4  }
0x28: {  	v5 =	vshll.u32 v4, $0x4  }
0x29: {  	v4 =	vand.u32 $0x7, v4;
	v5 =	vand.u32 $0xFFFFFF80, v5  }
0x2a: {  	v4 =	vor.u32 v4, v5  }
0x2b: {  	v5 =	vperm.xlane v4, v0;
	_ =	sdelay $0x1  }
0x2c: {  	v5 =	vadd.s32 v1, v5;
	_ =	sdelay $0x4  }
0x2d: {  	[tilespmem:s14], [sflag:$0x1] =	stream.indirect_vreg.gather [hbm4b:s0+s11], $0x80, v5, vm0, $0xb8;
	[tilespmem:$0x8200] =	vst v63  }
0x2e: {  	_ = 	snop  }
0x2f: {  	[tilespmem:s15], [sflag:$0x1] =	stream.indirect_vreg.gather [hbm4b:s4+s11], $0x80, v5, vm0, $0xb8;
	[tilespmem:$0x8200] =	vst v63  }
0x30: {  	_ = 	snop  }
0x31: {  	[tilespmem:s16], [sflag:$0x1] =	stream.indirect_vreg.gather [hbm4b:s5+s11], $0x80, v5, vm0, $0xb8;
	[tilespmem:$0x8200] =	vst v63  }
0x32: {  	_ = 	snop  }
0x33: {  	[tilespmem:s17], [sflag:$0x1] =	stream.indirect_vreg.gather [hbm4b:s6+s11], $0x80, v5, vm0, $0xb8;
	[tilespmem:$0x8200] =	vst v63  }
0x34: {  	_ = 	snop  }
0x35: {  	[tilespmem:s18], [sflag:$0x1] =	stream.indirect_vreg.gather [hbm4b:s7+s11], $0x80, v5, vm0, $0xb8;
	[tilespmem:$0x8200] =	vst v63  }
0x36: {  	v4 =	vperm.xlane v4, v2  }
0x37: {  	[tilespmem:s19], [sflag:$0x1] =	stream.indirect_vreg.gather [hbm4b:s8+s11], $0x80, v5, vm0, $0xb8;
	[tilespmem:$0x8200] =	vst v63  }
0x38: {  	v4 =	vadd.s32 v1, v4  }
0x39: {  	[tilespmem:s20], [sflag:$0x1] =	stream.indirect_vreg.gather [hbm4b:s9+s11], $0x80, v5, vm0, $0xb8;
	[tilespmem:$0x8200] =	vst v63  }
0x3a: {  	_ = 	snop  }
0x3b: {  	[tilespmem:s21], [sflag:$0x1] =	stream.indirect_vreg.gather [hbm4b:s10+s11], $0x80, v5, vm0, $0xb8;
	[tilespmem:$0x8200] =	vst v63  }
0x3c: {  	_ = 	snop  }
0x3d: {  	[tilespmem:s22], [sflag:$0x1] =	stream.indirect_vreg.gather [hbm4b:s0+s11], $0x80, v4, vm0, $0xb8;
	[tilespmem:$0x8200] =	vst v63  }
0x3e: {  	_ = 	snop  }
0x3f: {  	[tilespmem:s23], [sflag:$0x1] =	stream.indirect_vreg.gather [hbm4b:s4+s11], $0x80, v4, vm0, $0xb8;
	[tilespmem:$0x8200] =	vst v63  }
0x40: {  	_ = 	snop  }
0x41: {  	[tilespmem:s24], [sflag:$0x1] =	stream.indirect_vreg.gather [hbm4b:s5+s11], $0x80, v4, vm0, $0xb8;
	[tilespmem:$0x8200] =	vst v63  }
0x42: {  	_ = 	snop  }
0x43: {  	[tilespmem:s25], [sflag:$0x1] =	stream.indirect_vreg.gather [hbm4b:s6+s11], $0x80, v4, vm0, $0xb8;
	[tilespmem:$0x8200] =	vst v63  }
0x44: {  	_ = 	snop  }
0x45: {  	[tilespmem:s26], [sflag:$0x1] =	stream.indirect_vreg.gather [hbm4b:s7+s11], $0x80, v4, vm0, $0xb8;
	[tilespmem:$0x8200] =	vst v63  }
0x46: {  	_ = 	snop  }
0x47: {  	[tilespmem:s28], [sflag:$0x1] =	stream.indirect_vreg.gather [hbm4b:s8+s11], $0x80, v4, vm0, $0xb8;
	[tilespmem:$0x8200] =	vst v63  }
0x48: {  	_ = 	snop  }
0x49: {  	[tilespmem:s29], [sflag:$0x1] =	stream.indirect_vreg.gather [hbm4b:s9+s11], $0x80, v4, vm0, $0xb8;
	[tilespmem:$0x8200] =	vst v63  }
0x4a: {  	_ = 	snop  }
0x4b: {  	[tilespmem:s30], [sflag:$0x1] =	stream.indirect_vreg.gather [hbm4b:s10+s11], $0x80, v4, vm0, $0xb8;
	[tilespmem:$0x8200] =	vst v63  }
0x4c: {  	_ =	swait.ge [sflag:s31], $0x8000  }
0x4d: {  	[sflag:s31] =	ssyncset.done $0x0  }
0x4e: {  	[sflag:s31] =	ssyncadd.s32 $0xFFFF8000  }
0x4f: {  	v4 =	vld [tilespmem:$0x80];
	_ =	sdelay $0x4  }
0x50: {  	v5 =	vshll.u32 v4, $0x3  }
0x51: {  	v4 =	vand.u32 $0x7F, v4;
	v5 =	vand.u32 $0xFFFFFC00, v5  }
0x52: {  	v4 =	vor.u32 v4, v5  }
0x53: {  	v4 =	vadd.s32 v3, v4;
	_ =	sdelay $0x3  }
0x54: {  	v5 =	vld [tilespmem:$0x8100]  }
0x55: {  	v4 =	vld.idx.msk [tilespmem:v4+s14+$0x0], $0xffff;
	_ =	sdelay $0x4  }
0x56: {  	v4 =	vadd.f32 v5, v4  }
0x57: {  	p0 =	sne.s32 s3, $0x1  }
.Ltmp1:
0x58: {  	s13 =	rddreg [dreg:$0x7];
	[tilespmem:$0x8180] =	vst v4;
	(pc) =	sbr.rel @p0 .LBB2_2-.Ltmp1, $4  }
0x59: {  	[hbm4b:s13+s11] =	stream.linear.scatter [tilespmem:s2], [sflag:$0x2], $0x80, $0x38;
	[tilespmem:$0x8200] =	vst v63  }
0x5a: {  	_ =	swait.ge [sflag:s12], $0x80  }
0x5b: {  	[sflag:s12] =	ssyncset.done $0x0  }
0x5c: {  	s3 =	sadd.s32 $0xFFFFFFFF, s3;
	[sflag:s12] =	ssyncadd.s32 $0xFFFFFF80  }
.LBB2_3:
0x5d: {  	_ =	sfence.sel $0x180000  }
0x5e: {  	[bflag:$0x0] =	sbarrier.arrive $0xFFFF  }
0x5f: {  	_ =	strace $0x90000047  }
0x60: {  	s0 =	stileid.u32;
	[bflag:$0x2] =	sbarrier.arrive $0xFFFF  }
0x61: {  	p0 =	sne.s32 s0, $0x0;
	s0 =	rddreg [dreg:$0x3]  }
0x62: {  	s0 =	sadd.s32 @!p0 $0x100000, s0  }
0x63: {  	[sflag:s0] =	ssyncadd.tile.s32 @!p0 $0x1;
	_ =	shalt  }
.Lfunc_end2:
_tile_overlayer_lowered:
.L_overlay_start_2:
0x64: {  	(tag) =	ssettag $0x2  }
0x65: {  	s0 =	rddreg [dreg:$0x0];
	s2 =	stileid.u32  }
0x66: {  	s1 =	rddreg [dreg:$0x1];
	p0 =	sne.s32 s2, $0x0  }
0x67: {  	s3 =	rddreg [dreg:$0x2];
	[bflag:$0x3] =	sbarrier.arrive $0xFFFF;
	s2 =	simm.s32 @!p0 $0x1C02  }
0x68: {  	[timem:s3], [sflag:s2] =	dma.local @!p0 [hbm:s0], s1  }
0x69: {  	s0 =	simm.s32 @!p0 $0x2  }
0x6a: {  	_ =	swait.ge @!p0 [sflag:s0], s1  }
0x6b: {  	s1 =	ssub.s32 @!p0 $0x0, s1;
	[sflag:s0] =	ssyncset.done @!p0 $0x0  }
0x6c: {  	[sflag:s0] =	ssyncadd.s32 @!p0 s1  }
0x6d: {  	[bflag:$0x3] =	sbarrier.arrive $0xFFFF  }
0x6e: {  	_ =	shalt  }

</sc_bundles>
